<compile_context>
chip_gen: v7x
topology: tpu7x:2x2x1
jax: 0.10.2.dev20260603
libtpu: 0.0.44.dev20260713+nightly
codegen_flags: <defaults>
</compile_context>

<pallas_src>
import functools

import jax
import jax.numpy as jnp
from jax import lax
from jax.experimental import pallas as pl
from jax.experimental.pallas import tpu as pltpu
from jax.experimental.pallas import tpu_sc as plsc

_N_FIELDS = 26
_VOCAB = 100000
_EMB = 50
_B = 16384
_CONCAT = _N_FIELDS * _EMB
_H = 200
_OUT = 2

_NW = 32
_CHUNK = 4096


def _sc_gather_t(t2, xT):
    mesh = plsc.VectorSubcoreMesh(core_axis_name="c", subcore_axis_name="s")

    @functools.partial(
        pl.kernel,
        out_type=jax.ShapeDtypeStruct((_CONCAT, _B), jnp.float32),
        mesh=mesh,
        scratch_types=[
            pltpu.VMEM((_VOCAB,), jnp.float32),
            pltpu.VMEM((_B,), jnp.int32),
            pltpu.VMEM((_CHUNK,), jnp.float32),
            pltpu.VMEM((_CHUNK,), jnp.float32),
            pltpu.SemaphoreType.DMA,
            pltpu.SemaphoreType.DMA,
        ],
        compiler_params=pltpu.CompilerParams(needs_layout_passes=False),
    )
    def k(t2_hbm, xT_hbm, out_hbm, row_v, idx_v, out0_v, out1_v, sem0, sem1):
        wid = lax.axis_index("s") * 2 + lax.axis_index("c")
        start = 40 * wid + jnp.minimum(wid, 20)
        end = start + jnp.where(wid < 20, 41, 40)
        f_lo = start // _EMB
        f_hi = (end - 1) // _EMB

        @pl.loop(f_lo, f_hi + 1)
        def _(f):
            pltpu.sync_copy(xT_hbm.at[f, :], idx_v)
            r_lo = jnp.maximum(start, _EMB * f)
            r_hi = jnp.minimum(end, _EMB * (f + 1))

            @pl.loop(r_lo, r_hi)
            def _(r, f=f):
                e = r - _EMB * f
                pltpu.sync_copy(t2_hbm.at[f, e, :], row_v)
                bufs = (out0_v, out1_v)
                sems = (sem0, sem1)
                pending = [None, None]
                for ci in range(_B // _CHUNK):
                    ob, sem = bufs[ci % 2], sems[ci % 2]
                    if pending[ci % 2] is not None:
                        pending[ci % 2].wait()
                    base = ci * _CHUNK

                    @plsc.parallel_loop(0, _CHUNK, 16, unroll=12)
                    def _(j, base=base, ob=ob):
                        iv = idx_v[pl.ds(base + j, 16)]
                        ob[pl.ds(j, 16)] = plsc.load_gather(row_v, [iv])

                    pending[ci % 2] = pltpu.async_copy(
                        ob, out_hbm.at[r, pl.ds(base, _CHUNK)], sem)
                for p in pending:
                    if p is not None:
                        p.wait()

    return k(t2, xT)


def _mlp_body(embT_ref, w1_ref, b1_ref, w2_ref, b2_ref, w3_ref, b3_ref,
              w4_ref, b4_ref, w5_ref, b5_ref, o_ref):
    def sig(z):
        return 1.0 / (1.0 + jnp.exp(-z))

    dn = (((0,), (0,)), ((), ()))

    eT = embT_ref[...]
    z = lax.dot_general(w1_ref[...], eT, dn,
                        preferred_element_type=jnp.float32) + b1_ref[...]
    h = sig(z)
    z = lax.dot_general(w2_ref[...], h, dn,
                        preferred_element_type=jnp.float32) + b2_ref[...]
    h = sig(z)
    z = lax.dot_general(w3_ref[...], h, dn,
                        preferred_element_type=jnp.float32) + b3_ref[...]
    h = sig(z)
    z = lax.dot_general(w4_ref[...], h, dn,
                        preferred_element_type=jnp.float32) + b4_ref[...]
    h = sig(z)
    logits = lax.dot_general(w5_ref[...], h, dn,
                             preferred_element_type=jnp.float32) + b5_ref[...]
    m = jnp.max(logits, axis=0, keepdims=True)
    e = jnp.exp(logits - m)
    o_ref[...] = e / jnp.sum(e, axis=0, keepdims=True)


def _tc_mlp_t(embT, W1, b1, W2, b2, W3, b3, W4, b4, W5, b5):
    bt = 2048
    nb = _B // bt
    full = lambda i: (0, 0)
    return pl.pallas_call(
        _mlp_body,
        grid=(nb,),
        in_specs=[
            pl.BlockSpec((_CONCAT, bt), lambda i: (0, i)),
            pl.BlockSpec((_CONCAT, _H), full),
            pl.BlockSpec((_H, 1), full),
            pl.BlockSpec((_H, _H), full),
            pl.BlockSpec((_H, 1), full),
            pl.BlockSpec((_H, _H), full),
            pl.BlockSpec((_H, 1), full),
            pl.BlockSpec((_H, _H), full),
            pl.BlockSpec((_H, 1), full),
            pl.BlockSpec((_H, _OUT), full),
            pl.BlockSpec((_OUT, 1), full),
        ],
        out_specs=pl.BlockSpec((_OUT, bt), lambda i: (0, i)),
        out_shape=jax.ShapeDtypeStruct((_OUT, _B), jnp.float32),
    )(embT, W1, b1.reshape(_H, 1), W2, b2.reshape(_H, 1), W3, b3.reshape(_H, 1),
      W4, b4.reshape(_H, 1), W5, b5.reshape(_OUT, 1))


def kernel(x, tables, W1, b1, W2, b2, W3, b3, W4, b4, W5, b5):
    t2 = jnp.transpose(tables, (0, 2, 1))
    xT = jnp.transpose(x, (1, 0))
    embT = _sc_gather_t(t2, xT)
    probsT = _tc_mlp_t(embT, W1, b1, W2, b2, W3, b3, W4, b4, W5, b5)
    return jnp.transpose(probsT, (1, 0))

# --- scband reference (transcript-rebuilt; emitter-appended) ---
"""Pipeline reference for scband-neural-network-42941083025497 (READ-ONLY COPY).

The authoritative reference and input builder live on the scoring server;
editing this copy changes nothing except your own understanding.
"""

import jax, jax.numpy as jnp
import numpy as np

N_FIELDS = 26
VOCAB = 100000
EMB = 50  # min(50, (VOCAB + 1) // 2)
B = 16384
CONCAT = N_FIELDS * EMB  # 1300
H = 200
OUT = 2


def setup_inputs(seed: int = 0) -> dict:
    key = jax.random.key(seed)
    ks = jax.random.split(key, 13)
    x = jax.random.randint(ks[0], (B, N_FIELDS), 0, VOCAB, dtype=jnp.int32)
    tables = jax.random.normal(ks[1], (N_FIELDS, VOCAB, EMB), dtype=jnp.float32) * 0.02
    W1 = jax.random.normal(ks[2], (CONCAT, H), dtype=jnp.float32) * (1.0 / np.sqrt(CONCAT))
    b1 = jnp.zeros((H,), dtype=jnp.float32)
    W2 = jax.random.normal(ks[3], (H, H), dtype=jnp.float32) * (1.0 / np.sqrt(H))
    b2 = jnp.zeros((H,), dtype=jnp.float32)
    W3 = jax.random.normal(ks[4], (H, H), dtype=jnp.float32) * (1.0 / np.sqrt(H))
    b3 = jnp.zeros((H,), dtype=jnp.float32)
    W4 = jax.random.normal(ks[5], (H, H), dtype=jnp.float32) * (1.0 / np.sqrt(H))
    b4 = jnp.zeros((H,), dtype=jnp.float32)
    W5 = jax.random.normal(ks[6], (H, OUT), dtype=jnp.float32) * (1.0 / np.sqrt(H))
    b5 = jnp.zeros((OUT,), dtype=jnp.float32)
    return {"x": x, "tables": tables, "W1": W1, "b1": b1, "W2": W2, "b2": b2,
            "W3": W3, "b3": b3, "W4": W4, "b4": b4, "W5": W5, "b5": b5}


def reference(x, tables, W1, b1, W2, b2, W3, b3, W4, b4, W5, b5):
    # per-field embedding lookup; concat in field order (matches torch.cat over features)
    embeds = jax.vmap(lambda t, idx: jnp.take(t, idx, axis=0), in_axes=(0, 1), out_axes=1)(tables, x)  # [B, N_FIELDS, EMB]
    h = embeds.reshape(x.shape[0], N_FIELDS * EMB)
    h = jax.nn.sigmoid(h @ W1 + b1)
    h = jax.nn.sigmoid(h @ W2 + b2)
    h = jax.nn.sigmoid(h @ W3 + b3)
    h = jax.nn.sigmoid(h @ W4 + b4)
    logits = h @ W5 + b5
    return jax.nn.softmax(logits, axis=1)

if __name__ == "__main__":
    import jax
    _d = setup_inputs()
    print(jax.jit(kernel)(*tuple(_d.values())))

</pallas_src>

<mosaic_0001>
#map = affine_map<(d0, d1) -> (0, 0, 0)>
#map1 = affine_map<(d0, d1) -> (0, 0)>
module attributes {stable_mosaic.version = 14 : i64} {
  func.func @k(%arg0: i32, %arg1: i32, %arg2: memref<26x50x100000xf32, #tpu.memory_space<hbm>>, %arg3: memref<26x16384xi32, #tpu.memory_space<hbm>>, %arg4: memref<1300x16384xf32, #tpu.memory_space<hbm>>, %arg5: memref<100000xf32, #tpu.memory_space<vmem>>, %arg6: memref<16384xi32, #tpu.memory_space<vmem>>, %arg7: memref<4096xf32, #tpu.memory_space<vmem>>, %arg8: memref<4096xf32, #tpu.memory_space<vmem>>, %arg9: memref<!tpu.dma_semaphore, #tpu.memory_space<semaphore_mem>>, %arg10: memref<!tpu.dma_semaphore, #tpu.memory_space<semaphore_mem>>) attributes {dimension_semantics = [#tpu.dimension_semantics<core_parallel>, #tpu.dimension_semantics<subcore_parallel>], iteration_bounds = array<i64: 2, 16>, scalar_prefetch = 0 : i64, scratch_operands = 6 : i64, tpu.core_type = #tpu.core_type<sc_vector_subcore>, window_params = [{transform_indices = #map}, {transform_indices = #map1}, {transform_indices = #map1}]} {
    %mul3A = arith.constant 2 : i32
    %mul3A_0 = arith.muli %arg1, %mul3A : i32
    %add3A = arith.addi %mul3A_0, %arg0 : i32
    %mul3A_1 = arith.constant 40 : i32
    %mul3A_2 = arith.muli %mul3A_1, %add3A : i32
    %min3A = arith.constant 20 : i32
    %min3A_3 = arith.minsi %add3A, %min3A : i32
    %add3A_4 = arith.addi %mul3A_2, %min3A_3 : i32
    %lt3A = arith.constant 20 : i32
    %lt3A_5 = arith.cmpi slt, %add3A, %lt3A : i32
    %jit3A = arith.constant 41 : i32
    %jit3A_6 = arith.constant 40 : i32
    %select_n3A = arith.select %lt3A_5, %jit3A, %jit3A_6 : i32
    %add3A_7 = arith.addi %add3A_4, %select_n3A : i32
    %jit3A_8 = arith.constant 50 : i32
    %div3A = arith.divsi %add3A_4, %jit3A_8 : i32
    %sign3A = arith.constant 0 : i32
    %sign3A_9 = arith.cmpi sgt, %add3A_4, %sign3A : i32
    %sign3A_10 = arith.extui %sign3A_9 : i1 to i32
    %sign3A_11 = arith.constant 0 : i32
    %sign3A_12 = arith.cmpi slt, %add3A_4, %sign3A_11 : i32
    %sign3A_13 = arith.extui %sign3A_12 : i1 to i32
    %sign3A_14 = arith.subi %sign3A_10, %sign3A_13 : i32
    %sign3A_15 = arith.constant 0 : i32
    %sign3A_16 = arith.cmpi sgt, %jit3A_8, %sign3A_15 : i32
    %sign3A_17 = arith.extui %sign3A_16 : i1 to i32
    %sign3A_18 = arith.constant 0 : i32
    %sign3A_19 = arith.cmpi slt, %jit3A_8, %sign3A_18 : i32
    %sign3A_20 = arith.extui %sign3A_19 : i1 to i32
    %sign3A_21 = arith.subi %sign3A_17, %sign3A_20 : i32
    %ne3A = arith.cmpi ne, %sign3A_14, %sign3A_21 : i32
    %rem3A = arith.remsi %add3A_4, %jit3A_8 : i32
    %ne3A_22 = arith.constant 0 : i32
    %ne3A_23 = arith.cmpi ne, %rem3A, %ne3A_22 : i32
    %and3A = arith.andi %ne3A, %ne3A_23 : i1
    %sub3A = arith.constant 1 : i32
    %sub3A_24 = arith.subi %div3A, %sub3A : i32
    %select_n3A_25 = arith.select %and3A, %sub3A_24, %div3A : i32
    %sub3A_26 = arith.constant 1 : i32
    %sub3A_27 = arith.subi %add3A_7, %sub3A_26 : i32
    %jit3A_28 = arith.constant 50 : i32
    %div3A_29 = arith.divsi %sub3A_27, %jit3A_28 : i32
    %sign3A_30 = arith.constant 0 : i32
    %sign3A_31 = arith.cmpi sgt, %sub3A_27, %sign3A_30 : i32
    %sign3A_32 = arith.extui %sign3A_31 : i1 to i32
    %sign3A_33 = arith.constant 0 : i32
    %sign3A_34 = arith.cmpi slt, %sub3A_27, %sign3A_33 : i32
    %sign3A_35 = arith.extui %sign3A_34 : i1 to i32
    %sign3A_36 = arith.subi %sign3A_32, %sign3A_35 : i32
    %sign3A_37 = arith.constant 0 : i32
    %sign3A_38 = arith.cmpi sgt, %jit3A_28, %sign3A_37 : i32
    %sign3A_39 = arith.extui %sign3A_38 : i1 to i32
    %sign3A_40 = arith.constant 0 : i32
    %sign3A_41 = arith.cmpi slt, %jit3A_28, %sign3A_40 : i32
    %sign3A_42 = arith.extui %sign3A_41 : i1 to i32
    %sign3A_43 = arith.subi %sign3A_39, %sign3A_42 : i32
    %ne3A_44 = arith.cmpi ne, %sign3A_36, %sign3A_43 : i32
    %rem3A_45 = arith.remsi %sub3A_27, %jit3A_28 : i32
    %ne3A_46 = arith.constant 0 : i32
    %ne3A_47 = arith.cmpi ne, %rem3A_45, %ne3A_46 : i32
    %and3A_48 = arith.andi %ne3A_44, %ne3A_47 : i1
    %sub3A_49 = arith.constant 1 : i32
    %sub3A_50 = arith.subi %div3A_29, %sub3A_49 : i32
    %select_n3A_51 = arith.select %and3A_48, %sub3A_50, %div3A_29 : i32
    %add3A_52 = arith.constant 1 : i32
    %add3A_53 = arith.addi %select_n3A_51, %add3A_52 : i32
    %sub3A_54 = arith.subi %add3A_53, %select_n3A_25 : i32
    %sub3A_55 = arith.constant 1 : i32
    %sub3A_56 = arith.constant 1 : i32
    %sub3A_57 = arith.subi %sub3A_55, %sub3A_56 : i32
    %add3A_58 = arith.addi %sub3A_54, %sub3A_57 : i32
    %div3A_59 = arith.constant 1 : i32
    %div3A_60 = arith.divsi %add3A_58, %div3A_59 : i32
    %while3A = arith.constant 1 : i32
    %while3A_61 = arith.constant 0 : i32
    %while3A_62 = arith.subi %div3A_60, %while3A_61 : i32
    %while3A_63 = arith.addi %while3A_61, %while3A_62 : i32
    %while3A_64 = arith.constant 1 : i32
    %while3A_65 = arith.divsi %while3A_62, %while3A_64 : i32
    %while3A_66 = arith.muli %while3A_65, %while3A_64 : i32
    %while3A_67 = arith.addi %while3A_61, %while3A_66 : i32
    %while3A_68 = arith.constant 1 : i32
    scf.for %while3A_70 = %while3A_61 to %while3A_67 step %while3A_68  : i32 {
      %mul3A_71 = arith.muli %while3A_70, %while3A : i32
      %add3A_72 = arith.addi %select_n3A_25, %mul3A_71 : i32
      "tpu.region"() ({
        %run_scoped3A = tpu.sem_alloc : memref<!tpu.dma_semaphore, #tpu.memory_space<semaphore_mem>>
        %dma_start3A = arith.constant 0 : i32
        %dma_start3A_97 = tpu.memref_slice %arg3[%add3A_72, %dma_start3A] : memref<26x16384xi32, #tpu.memory_space<hbm>> -> memref<1x16384xi32, #tpu.memory_space<hbm>>
        %dma_start3A_98 = tpu.memref_squeeze %dma_start3A_97 : memref<1x16384xi32, #tpu.memory_space<hbm>> -> memref<16384xi32, #tpu.memory_space<hbm>>
        %dma_start3A_99 = arith.constant 0 : i32
        %dma_start3A_100 = tpu.memref_slice %arg3[%add3A_72, %dma_start3A_99] : memref<26x16384xi32, #tpu.memory_space<hbm>> -> memref<1x16384xi32, #tpu.memory_space<hbm>>
        %dma_start3A_101 = tpu.memref_squeeze %dma_start3A_100 : memref<1x16384xi32, #tpu.memory_space<hbm>> -> memref<16384xi32, #tpu.memory_space<hbm>>
        tpu.enqueue_dma source(%dma_start3A_101 : memref<16384xi32, #tpu.memory_space<hbm>>) target(%arg6 : memref<16384xi32, #tpu.memory_space<vmem>>) target_semaphore(%run_scoped3A : memref<!tpu.dma_semaphore, #tpu.memory_space<semaphore_mem>>)
        %dma_wait3A = arith.constant 0 : i32
        %dma_wait3A_102 = tpu.memref_slice %arg3[%add3A_72, %dma_wait3A] : memref<26x16384xi32, #tpu.memory_space<hbm>> -> memref<1x16384xi32, #tpu.memory_space<hbm>>
        %dma_wait3A_103 = tpu.memref_squeeze %dma_wait3A_102 : memref<1x16384xi32, #tpu.memory_space<hbm>> -> memref<16384xi32, #tpu.memory_space<hbm>>
        %dma_wait3A_104 = arith.constant 0 : i32
        %dma_wait3A_105 = tpu.memref_slice %arg3[%add3A_72, %dma_wait3A_104] : memref<26x16384xi32, #tpu.memory_space<hbm>> -> memref<1x16384xi32, #tpu.memory_space<hbm>>
        %dma_wait3A_106 = tpu.memref_squeeze %dma_wait3A_105 : memref<1x16384xi32, #tpu.memory_space<hbm>> -> memref<16384xi32, #tpu.memory_space<hbm>>
        tpu.wait_dma2 semaphore(%run_scoped3A : memref<!tpu.dma_semaphore, #tpu.memory_space<semaphore_mem>>) src(%dma_wait3A_106 : memref<16384xi32, #tpu.memory_space<hbm>>) dst(%arg6 : memref<16384xi32, #tpu.memory_space<vmem>>)
        tpu.yield
      }) : () -> ()
      %mul3A_73 = arith.constant 50 : i32
      %mul3A_74 = arith.muli %mul3A_73, %add3A_72 : i32
      %max3A = arith.maxsi %add3A_4, %mul3A_74 : i32
      %add3A_75 = arith.constant 1 : i32
      %add3A_76 = arith.addi %add3A_72, %add3A_75 : i32
      %mul3A_77 = arith.constant 50 : i32
      %mul3A_78 = arith.muli %mul3A_77, %add3A_76 : i32
      %min3A_79 = arith.minsi %add3A_7, %mul3A_78 : i32
      %sub3A_80 = arith.subi %min3A_79, %max3A : i32
      %sub3A_81 = arith.constant 1 : i32
      %sub3A_82 = arith.constant 1 : i32
      %sub3A_83 = arith.subi %sub3A_81, %sub3A_82 : i32
      %add3A_84 = arith.addi %sub3A_80, %sub3A_83 : i32
      %div3A_85 = arith.constant 1 : i32
      %div3A_86 = arith.divsi %add3A_84, %div3A_85 : i32
      %while3A_87 = arith.constant 1 : i32
      %while3A_88 = arith.constant 0 : i32
      %while3A_89 = arith.subi %div3A_86, %while3A_88 : i32
      %while3A_90 = arith.addi %while3A_88, %while3A_89 : i32
      %while3A_91 = arith.constant 1 : i32
      %while3A_92 = arith.divsi %while3A_89, %while3A_91 : i32
      %while3A_93 = arith.muli %while3A_92, %while3A_91 : i32
      %while3A_94 = arith.addi %while3A_88, %while3A_93 : i32
      %while3A_95 = arith.constant 1 : i32
      scf.for %while3A_97 = %while3A_88 to %while3A_94 step %while3A_95  : i32 {
        %mul3A_98 = arith.muli %while3A_97, %while3A_87 : i32
        %add3A_99 = arith.addi %max3A, %mul3A_98 : i32
        %mul3A_100 = arith.constant 50 : i32
        %mul3A_101 = arith.muli %mul3A_100, %add3A_72 : i32
        %sub3A_102 = arith.subi %add3A_99, %mul3A_101 : i32
        "tpu.region"() ({
          %run_scoped3A = tpu.sem_alloc : memref<!tpu.dma_semaphore, #tpu.memory_space<semaphore_mem>>
          %dma_start3A_160 = arith.constant 0 : i32
          %dma_start3A_161 = tpu.memref_slice %arg2[%add3A_72, %sub3A_102, %dma_start3A_160] : memref<26x50x100000xf32, #tpu.memory_space<hbm>> -> memref<1x1x100000xf32, #tpu.memory_space<hbm>>
          %dma_start3A_162 = tpu.memref_squeeze %dma_start3A_161 : memref<1x1x100000xf32, #tpu.memory_space<hbm>> -> memref<100000xf32, #tpu.memory_space<hbm>>
          %dma_start3A_163 = arith.constant 0 : i32
          %dma_start3A_164 = tpu.memref_slice %arg2[%add3A_72, %sub3A_102, %dma_start3A_163] : memref<26x50x100000xf32, #tpu.memory_space<hbm>> -> memref<1x1x100000xf32, #tpu.memory_space<hbm>>
          %dma_start3A_165 = tpu.memref_squeeze %dma_start3A_164 : memref<1x1x100000xf32, #tpu.memory_space<hbm>> -> memref<100000xf32, #tpu.memory_space<hbm>>
          tpu.enqueue_dma source(%dma_start3A_165 : memref<100000xf32, #tpu.memory_space<hbm>>) target(%arg5 : memref<100000xf32, #tpu.memory_space<vmem>>) target_semaphore(%run_scoped3A : memref<!tpu.dma_semaphore, #tpu.memory_space<semaphore_mem>>)
          %dma_wait3A_166 = arith.constant 0 : i32
          %dma_wait3A_167 = tpu.memref_slice %arg2[%add3A_72, %sub3A_102, %dma_wait3A_166] : memref<26x50x100000xf32, #tpu.memory_space<hbm>> -> memref<1x1x100000xf32, #tpu.memory_space<hbm>>
          %dma_wait3A_168 = tpu.memref_squeeze %dma_wait3A_167 : memref<1x1x100000xf32, #tpu.memory_space<hbm>> -> memref<100000xf32, #tpu.memory_space<hbm>>
          %dma_wait3A_169 = arith.constant 0 : i32
          %dma_wait3A_170 = tpu.memref_slice %arg2[%add3A_72, %sub3A_102, %dma_wait3A_169] : memref<26x50x100000xf32, #tpu.memory_space<hbm>> -> memref<1x1x100000xf32, #tpu.memory_space<hbm>>
          %dma_wait3A_171 = tpu.memref_squeeze %dma_wait3A_170 : memref<1x1x100000xf32, #tpu.memory_space<hbm>> -> memref<100000xf32, #tpu.memory_space<hbm>>
          tpu.wait_dma2 semaphore(%run_scoped3A : memref<!tpu.dma_semaphore, #tpu.memory_space<semaphore_mem>>) src(%dma_wait3A_171 : memref<100000xf32, #tpu.memory_space<hbm>>) dst(%arg5 : memref<100000xf32, #tpu.memory_space<vmem>>)
          tpu.yield
        }) : () -> ()
        %parallel_loop3A = arith.constant 0 : i32
        %parallel_loop3A_103 = arith.constant 4096 : i32
        %parallel_loop3A_104 = arith.constant 16 : i32
        scf.for %parallel_loop3A_160 = %parallel_loop3A to %parallel_loop3A_103 step %parallel_loop3A_104  : i32 {
          %parallel_loop3A_161 = arith.constant 0 : i32
          %parallel_loop3A_162 = arith.addi %parallel_loop3A_161, %parallel_loop3A_160 : i32
          %parallel_loop3A_163 = arith.index_cast %parallel_loop3A_162 : i32 to index
          %parallel_loop3A_164 = tpu.vector_load %arg6[%parallel_loop3A_163] {strides = array<i32>} : memref<16384xi32, #tpu.memory_space<vmem>>, vector<16xi32>,
          %parallel_loop3A_165 = tpu.vector_load_idx %arg5[%parallel_loop3A_164] : memref<100000xf32, #tpu.memory_space<vmem>>[vector<16xi32>], vector<16xf32>,
          %parallel_loop3A_166 = arith.index_cast %parallel_loop3A_160 : i32 to index
          %parallel_loop3A_167 = tpu.vector_load %arg7[%parallel_loop3A_166] {strides = array<i32>} : memref<4096xf32, #tpu.memory_space<vmem>>, vector<16xf32>,
          tpu.vector_store %arg7[%parallel_loop3A_166], %parallel_loop3A_165 {strides = array<i32>} : memref<4096xf32, #tpu.memory_space<vmem>>, vector<16xf32>,
        } {sc.loop_unroll_factor = 12 : i64, sc.parallel_access}
        %dma_start3A = arith.constant 0 : i32
        %dma_start3A_105 = tpu.memref_slice %arg4[%add3A_99, %dma_start3A] : memref<1300x16384xf32, #tpu.memory_space<hbm>> -> memref<1x4096xf32, #tpu.memory_space<hbm>>
        %dma_start3A_106 = tpu.memref_squeeze %dma_start3A_105 : memref<1x4096xf32, #tpu.memory_space<hbm>> -> memref<4096xf32, #tpu.memory_space<hbm>>
        %dma_start3A_107 = arith.constant 0 : i32
        %dma_start3A_108 = tpu.memref_slice %arg4[%add3A_99, %dma_start3A_107] : memref<1300x16384xf32, #tpu.memory_space<hbm>> -> memref<1x4096xf32, #tpu.memory_space<hbm>>
        %dma_start3A_109 = tpu.memref_squeeze %dma_start3A_108 : memref<1x4096xf32, #tpu.memory_space<hbm>> -> memref<4096xf32, #tpu.memory_space<hbm>>
        tpu.enqueue_dma source(%arg7 : memref<4096xf32, #tpu.memory_space<vmem>>) target(%dma_start3A_109 : memref<4096xf32, #tpu.memory_space<hbm>>) target_semaphore(%arg9 : memref<!tpu.dma_semaphore, #tpu.memory_space<semaphore_mem>>)
        %parallel_loop3A_110 = arith.constant 0 : i32
        %parallel_loop3A_111 = arith.constant 4096 : i32
        %parallel_loop3A_112 = arith.constant 16 : i32
        scf.for %parallel_loop3A_160 = %parallel_loop3A_110 to %parallel_loop3A_111 step %parallel_loop3A_112  : i32 {
          %parallel_loop3A_161 = arith.constant 4096 : i32
          %parallel_loop3A_162 = arith.addi %parallel_loop3A_161, %parallel_loop3A_160 : i32
          %parallel_loop3A_163 = arith.index_cast %parallel_loop3A_162 : i32 to index
          %parallel_loop3A_164 = tpu.vector_load %arg6[%parallel_loop3A_163] {strides = array<i32>} : memref<16384xi32, #tpu.memory_space<vmem>>, vector<16xi32>,
          %parallel_loop3A_165 = tpu.vector_load_idx %arg5[%parallel_loop3A_164] : memref<100000xf32, #tpu.memory_space<vmem>>[vector<16xi32>], vector<16xf32>,
          %parallel_loop3A_166 = arith.index_cast %parallel_loop3A_160 : i32 to index
          %parallel_loop3A_167 = tpu.vector_load %arg8[%parallel_loop3A_166] {strides = array<i32>} : memref<4096xf32, #tpu.memory_space<vmem>>, vector<16xf32>,
          tpu.vector_store %arg8[%parallel_loop3A_166], %parallel_loop3A_165 {strides = array<i32>} : memref<4096xf32, #tpu.memory_space<vmem>>, vector<16xf32>,
        } {sc.loop_unroll_factor = 12 : i64, sc.parallel_access}
        %dma_start3A_113 = arith.constant 4096 : i32
        %dma_start3A_114 = tpu.memref_slice %arg4[%add3A_99, %dma_start3A_113] : memref<1300x16384xf32, #tpu.memory_space<hbm>> -> memref<1x4096xf32, #tpu.memory_space<hbm>>
        %dma_start3A_115 = tpu.memref_squeeze %dma_start3A_114 : memref<1x4096xf32, #tpu.memory_space<hbm>> -> memref<4096xf32, #tpu.memory_space<hbm>>
        %dma_start3A_116 = arith.constant 4096 : i32
        %dma_start3A_117 = tpu.memref_slice %arg4[%add3A_99, %dma_start3A_116] : memref<1300x16384xf32, #tpu.memory_space<hbm>> -> memref<1x4096xf32, #tpu.memory_space<hbm>>
        %dma_start3A_118 = tpu.memref_squeeze %dma_start3A_117 : memref<1x4096xf32, #tpu.memory_space<hbm>> -> memref<4096xf32, #tpu.memory_space<hbm>>
        tpu.enqueue_dma source(%arg8 : memref<4096xf32, #tpu.memory_space<vmem>>) target(%dma_start3A_118 : memref<4096xf32, #tpu.memory_space<hbm>>) target_semaphore(%arg10 : memref<!tpu.dma_semaphore, #tpu.memory_space<semaphore_mem>>)
        %dma_wait3A = arith.constant 0 : i32
        %dma_wait3A_119 = tpu.memref_slice %arg4[%add3A_99, %dma_wait3A] : memref<1300x16384xf32, #tpu.memory_space<hbm>> -> memref<1x4096xf32, #tpu.memory_space<hbm>>
        %dma_wait3A_120 = tpu.memref_squeeze %dma_wait3A_119 : memref<1x4096xf32, #tpu.memory_space<hbm>> -> memref<4096xf32, #tpu.memory_space<hbm>>
        %dma_wait3A_121 = arith.constant 0 : i32
        %dma_wait3A_122 = tpu.memref_slice %arg4[%add3A_99, %dma_wait3A_121] : memref<1300x16384xf32, #tpu.memory_space<hbm>> -> memref<1x4096xf32, #tpu.memory_space<hbm>>
        %dma_wait3A_123 = tpu.memref_squeeze %dma_wait3A_122 : memref<1x4096xf32, #tpu.memory_space<hbm>> -> memref<4096xf32, #tpu.memory_space<hbm>>
        tpu.wait_dma2 semaphore(%arg9 : memref<!tpu.dma_semaphore, #tpu.memory_space<semaphore_mem>>) src(%arg7 : memref<4096xf32, #tpu.memory_space<vmem>>) dst(%dma_wait3A_123 : memref<4096xf32, #tpu.memory_space<hbm>>)
        %parallel_loop3A_124 = arith.constant 0 : i32
        %parallel_loop3A_125 = arith.constant 4096 : i32
        %parallel_loop3A_126 = arith.constant 16 : i32
        scf.for %parallel_loop3A_160 = %parallel_loop3A_124 to %parallel_loop3A_125 step %parallel_loop3A_126  : i32 {
          %parallel_loop3A_161 = arith.constant 8192 : i32
          %parallel_loop3A_162 = arith.addi %parallel_loop3A_161, %parallel_loop3A_160 : i32
          %parallel_loop3A_163 = arith.index_cast %parallel_loop3A_162 : i32 to index
          %parallel_loop3A_164 = tpu.vector_load %arg6[%parallel_loop3A_163] {strides = array<i32>} : memref<16384xi32, #tpu.memory_space<vmem>>, vector<16xi32>,
          %parallel_loop3A_165 = tpu.vector_load_idx %arg5[%parallel_loop3A_164] : memref<100000xf32, #tpu.memory_space<vmem>>[vector<16xi32>], vector<16xf32>,
          %parallel_loop3A_166 = arith.index_cast %parallel_loop3A_160 : i32 to index
          %parallel_loop3A_167 = tpu.vector_load %arg7[%parallel_loop3A_166] {strides = array<i32>} : memref<4096xf32, #tpu.memory_space<vmem>>, vector<16xf32>,
          tpu.vector_store %arg7[%parallel_loop3A_166], %parallel_loop3A_165 {strides = array<i32>} : memref<4096xf32, #tpu.memory_space<vmem>>, vector<16xf32>,
        } {sc.loop_unroll_factor = 12 : i64, sc.parallel_access}
        %dma_start3A_127 = arith.constant 8192 : i32
        %dma_start3A_128 = tpu.memref_slice %arg4[%add3A_99, %dma_start3A_127] : memref<1300x16384xf32, #tpu.memory_space<hbm>> -> memref<1x4096xf32, #tpu.memory_space<hbm>>
        %dma_start3A_129 = tpu.memref_squeeze %dma_start3A_128 : memref<1x4096xf32, #tpu.memory_space<hbm>> -> memref<4096xf32, #tpu.memory_space<hbm>>
        %dma_start3A_130 = arith.constant 8192 : i32
        %dma_start3A_131 = tpu.memref_slice %arg4[%add3A_99, %dma_start3A_130] : memref<1300x16384xf32, #tpu.memory_space<hbm>> -> memref<1x4096xf32, #tpu.memory_space<hbm>>
        %dma_start3A_132 = tpu.memref_squeeze %dma_start3A_131 : memref<1x4096xf32, #tpu.memory_space<hbm>> -> memref<4096xf32, #tpu.memory_space<hbm>>
        tpu.enqueue_dma source(%arg7 : memref<4096xf32, #tpu.memory_space<vmem>>) target(%dma_start3A_132 : memref<4096xf32, #tpu.memory_space<hbm>>) target_semaphore(%arg9 : memref<!tpu.dma_semaphore, #tpu.memory_space<semaphore_mem>>)
        %dma_wait3A_133 = arith.constant 4096 : i32
        %dma_wait3A_134 = tpu.memref_slice %arg4[%add3A_99, %dma_wait3A_133] : memref<1300x16384xf32, #tpu.memory_space<hbm>> -> memref<1x4096xf32, #tpu.memory_space<hbm>>
        %dma_wait3A_135 = tpu.memref_squeeze %dma_wait3A_134 : memref<1x4096xf32, #tpu.memory_space<hbm>> -> memref<4096xf32, #tpu.memory_space<hbm>>
        %dma_wait3A_136 = arith.constant 4096 : i32
        %dma_wait3A_137 = tpu.memref_slice %arg4[%add3A_99, %dma_wait3A_136] : memref<1300x16384xf32, #tpu.memory_space<hbm>> -> memref<1x4096xf32, #tpu.memory_space<hbm>>
        %dma_wait3A_138 = tpu.memref_squeeze %dma_wait3A_137 : memref<1x4096xf32, #tpu.memory_space<hbm>> -> memref<4096xf32, #tpu.memory_space<hbm>>
        tpu.wait_dma2 semaphore(%arg10 : memref<!tpu.dma_semaphore, #tpu.memory_space<semaphore_mem>>) src(%arg8 : memref<4096xf32, #tpu.memory_space<vmem>>) dst(%dma_wait3A_138 : memref<4096xf32, #tpu.memory_space<hbm>>)
        %parallel_loop3A_139 = arith.constant 0 : i32
        %parallel_loop3A_140 = arith.constant 4096 : i32
        %parallel_loop3A_141 = arith.constant 16 : i32
        scf.for %parallel_loop3A_160 = %parallel_loop3A_139 to %parallel_loop3A_140 step %parallel_loop3A_141  : i32 {
          %parallel_loop3A_161 = arith.constant 12288 : i32
          %parallel_loop3A_162 = arith.addi %parallel_loop3A_161, %parallel_loop3A_160 : i32
          %parallel_loop3A_163 = arith.index_cast %parallel_loop3A_162 : i32 to index
          %parallel_loop3A_164 = tpu.vector_load %arg6[%parallel_loop3A_163] {strides = array<i32>} : memref<16384xi32, #tpu.memory_space<vmem>>, vector<16xi32>,
          %parallel_loop3A_165 = tpu.vector_load_idx %arg5[%parallel_loop3A_164] : memref<100000xf32, #tpu.memory_space<vmem>>[vector<16xi32>], vector<16xf32>,
          %parallel_loop3A_166 = arith.index_cast %parallel_loop3A_160 : i32 to index
          %parallel_loop3A_167 = tpu.vector_load %arg8[%parallel_loop3A_166] {strides = array<i32>} : memref<4096xf32, #tpu.memory_space<vmem>>, vector<16xf32>,
          tpu.vector_store %arg8[%parallel_loop3A_166], %parallel_loop3A_165 {strides = array<i32>} : memref<4096xf32, #tpu.memory_space<vmem>>, vector<16xf32>,
        } {sc.loop_unroll_factor = 12 : i64, sc.parallel_access}
        %dma_start3A_142 = arith.constant 12288 : i32
        %dma_start3A_143 = tpu.memref_slice %arg4[%add3A_99, %dma_start3A_142] : memref<1300x16384xf32, #tpu.memory_space<hbm>> -> memref<1x4096xf32, #tpu.memory_space<hbm>>
        %dma_start3A_144 = tpu.memref_squeeze %dma_start3A_143 : memref<1x4096xf32, #tpu.memory_space<hbm>> -> memref<4096xf32, #tpu.memory_space<hbm>>
        %dma_start3A_145 = arith.constant 12288 : i32
        %dma_start3A_146 = tpu.memref_slice %arg4[%add3A_99, %dma_start3A_145] : memref<1300x16384xf32, #tpu.memory_space<hbm>> -> memref<1x4096xf32, #tpu.memory_space<hbm>>
        %dma_start3A_147 = tpu.memref_squeeze %dma_start3A_146 : memref<1x4096xf32, #tpu.memory_space<hbm>> -> memref<4096xf32, #tpu.memory_space<hbm>>
        tpu.enqueue_dma source(%arg8 : memref<4096xf32, #tpu.memory_space<vmem>>) target(%dma_start3A_147 : memref<4096xf32, #tpu.memory_space<hbm>>) target_semaphore(%arg10 : memref<!tpu.dma_semaphore, #tpu.memory_space<semaphore_mem>>)
        %dma_wait3A_148 = arith.constant 8192 : i32
        %dma_wait3A_149 = tpu.memref_slice %arg4[%add3A_99, %dma_wait3A_148] : memref<1300x16384xf32, #tpu.memory_space<hbm>> -> memref<1x4096xf32, #tpu.memory_space<hbm>>
        %dma_wait3A_150 = tpu.memref_squeeze %dma_wait3A_149 : memref<1x4096xf32, #tpu.memory_space<hbm>> -> memref<4096xf32, #tpu.memory_space<hbm>>
        %dma_wait3A_151 = arith.constant 8192 : i32
        %dma_wait3A_152 = tpu.memref_slice %arg4[%add3A_99, %dma_wait3A_151] : memref<1300x16384xf32, #tpu.memory_space<hbm>> -> memref<1x4096xf32, #tpu.memory_space<hbm>>
        %dma_wait3A_153 = tpu.memref_squeeze %dma_wait3A_152 : memref<1x4096xf32, #tpu.memory_space<hbm>> -> memref<4096xf32, #tpu.memory_space<hbm>>
        tpu.wait_dma2 semaphore(%arg9 : memref<!tpu.dma_semaphore, #tpu.memory_space<semaphore_mem>>) src(%arg7 : memref<4096xf32, #tpu.memory_space<vmem>>) dst(%dma_wait3A_153 : memref<4096xf32, #tpu.memory_space<hbm>>)
        %dma_wait3A_154 = arith.constant 12288 : i32
        %dma_wait3A_155 = tpu.memref_slice %arg4[%add3A_99, %dma_wait3A_154] : memref<1300x16384xf32, #tpu.memory_space<hbm>> -> memref<1x4096xf32, #tpu.memory_space<hbm>>
        %dma_wait3A_156 = tpu.memref_squeeze %dma_wait3A_155 : memref<1x4096xf32, #tpu.memory_space<hbm>> -> memref<4096xf32, #tpu.memory_space<hbm>>
        %dma_wait3A_157 = arith.constant 12288 : i32
        %dma_wait3A_158 = tpu.memref_slice %arg4[%add3A_99, %dma_wait3A_157] : memref<1300x16384xf32, #tpu.memory_space<hbm>> -> memref<1x4096xf32, #tpu.memory_space<hbm>>
        %dma_wait3A_159 = tpu.memref_squeeze %dma_wait3A_158 : memref<1x4096xf32, #tpu.memory_space<hbm>> -> memref<4096xf32, #tpu.memory_space<hbm>>
        tpu.wait_dma2 semaphore(%arg10 : memref<!tpu.dma_semaphore, #tpu.memory_space<semaphore_mem>>) src(%arg8 : memref<4096xf32, #tpu.memory_space<vmem>>) dst(%dma_wait3A_159 : memref<4096xf32, #tpu.memory_space<hbm>>)
      }
      %while3A_96 = arith.constant 1 : i32
      scf.for %while3A_97 = %while3A_94 to %while3A_90 step %while3A_96  : i32 {
        %mul3A_98 = arith.muli %while3A_97, %while3A_87 : i32
        %add3A_99 = arith.addi %max3A, %mul3A_98 : i32
        %mul3A_100 = arith.constant 50 : i32
        %mul3A_101 = arith.muli %mul3A_100, %add3A_72 : i32
        %sub3A_102 = arith.subi %add3A_99, %mul3A_101 : i32
        "tpu.region"() ({
          %run_scoped3A = tpu.sem_alloc : memref<!tpu.dma_semaphore, #tpu.memory_space<semaphore_mem>>
          %dma_start3A_160 = arith.constant 0 : i32
          %dma_start3A_161 = tpu.memref_slice %arg2[%add3A_72, %sub3A_102, %dma_start3A_160] : memref<26x50x100000xf32, #tpu.memory_space<hbm>> -> memref<1x1x100000xf32, #tpu.memory_space<hbm>>
          %dma_start3A_162 = tpu.memref_squeeze %dma_start3A_161 : memref<1x1x100000xf32, #tpu.memory_space<hbm>> -> memref<100000xf32, #tpu.memory_space<hbm>>
          %dma_start3A_163 = arith.constant 0 : i32
          %dma_start3A_164 = tpu.memref_slice %arg2[%add3A_72, %sub3A_102, %dma_start3A_163] : memref<26x50x100000xf32, #tpu.memory_space<hbm>> -> memref<1x1x100000xf32, #tpu.memory_space<hbm>>
          %dma_start3A_165 = tpu.memref_squeeze %dma_start3A_164 : memref<1x1x100000xf32, #tpu.memory_space<hbm>> -> memref<100000xf32, #tpu.memory_space<hbm>>
          tpu.enqueue_dma source(%dma_start3A_165 : memref<100000xf32, #tpu.memory_space<hbm>>) target(%arg5 : memref<100000xf32, #tpu.memory_space<vmem>>) target_semaphore(%run_scoped3A : memref<!tpu.dma_semaphore, #tpu.memory_space<semaphore_mem>>)
          %dma_wait3A_166 = arith.constant 0 : i32
          %dma_wait3A_167 = tpu.memref_slice %arg2[%add3A_72, %sub3A_102, %dma_wait3A_166] : memref<26x50x100000xf32, #tpu.memory_space<hbm>> -> memref<1x1x100000xf32, #tpu.memory_space<hbm>>
          %dma_wait3A_168 = tpu.memref_squeeze %dma_wait3A_167 : memref<1x1x100000xf32, #tpu.memory_space<hbm>> -> memref<100000xf32, #tpu.memory_space<hbm>>
          %dma_wait3A_169 = arith.constant 0 : i32
          %dma_wait3A_170 = tpu.memref_slice %arg2[%add3A_72, %sub3A_102, %dma_wait3A_169] : memref<26x50x100000xf32, #tpu.memory_space<hbm>> -> memref<1x1x100000xf32, #tpu.memory_space<hbm>>
          %dma_wait3A_171 = tpu.memref_squeeze %dma_wait3A_170 : memref<1x1x100000xf32, #tpu.memory_space<hbm>> -> memref<100000xf32, #tpu.memory_space<hbm>>
          tpu.wait_dma2 semaphore(%run_scoped3A : memref<!tpu.dma_semaphore, #tpu.memory_space<semaphore_mem>>) src(%dma_wait3A_171 : memref<100000xf32, #tpu.memory_space<hbm>>) dst(%arg5 : memref<100000xf32, #tpu.memory_space<vmem>>)
          tpu.yield
        }) : () -> ()
        %parallel_loop3A = arith.constant 0 : i32
        %parallel_loop3A_103 = arith.constant 4096 : i32
        %parallel_loop3A_104 = arith.constant 16 : i32
        scf.for %parallel_loop3A_160 = %parallel_loop3A to %parallel_loop3A_103 step %parallel_loop3A_104  : i32 {
          %parallel_loop3A_161 = arith.constant 0 : i32
          %parallel_loop3A_162 = arith.addi %parallel_loop3A_161, %parallel_loop3A_160 : i32
          %parallel_loop3A_163 = arith.index_cast %parallel_loop3A_162 : i32 to index
          %parallel_loop3A_164 = tpu.vector_load %arg6[%parallel_loop3A_163] {strides = array<i32>} : memref<16384xi32, #tpu.memory_space<vmem>>, vector<16xi32>,
          %parallel_loop3A_165 = tpu.vector_load_idx %arg5[%parallel_loop3A_164] : memref<100000xf32, #tpu.memory_space<vmem>>[vector<16xi32>], vector<16xf32>,
          %parallel_loop3A_166 = arith.index_cast %parallel_loop3A_160 : i32 to index
          %parallel_loop3A_167 = tpu.vector_load %arg7[%parallel_loop3A_166] {strides = array<i32>} : memref<4096xf32, #tpu.memory_space<vmem>>, vector<16xf32>,
          tpu.vector_store %arg7[%parallel_loop3A_166], %parallel_loop3A_165 {strides = array<i32>} : memref<4096xf32, #tpu.memory_space<vmem>>, vector<16xf32>,
        } {sc.loop_unroll_factor = 12 : i64, sc.parallel_access}
        %dma_start3A = arith.constant 0 : i32
        %dma_start3A_105 = tpu.memref_slice %arg4[%add3A_99, %dma_start3A] : memref<1300x16384xf32, #tpu.memory_space<hbm>> -> memref<1x4096xf32, #tpu.memory_space<hbm>>
        %dma_start3A_106 = tpu.memref_squeeze %dma_start3A_105 : memref<1x4096xf32, #tpu.memory_space<hbm>> -> memref<4096xf32, #tpu.memory_space<hbm>>
        %dma_start3A_107 = arith.constant 0 : i32
        %dma_start3A_108 = tpu.memref_slice %arg4[%add3A_99, %dma_start3A_107] : memref<1300x16384xf32, #tpu.memory_space<hbm>> -> memref<1x4096xf32, #tpu.memory_space<hbm>>
        %dma_start3A_109 = tpu.memref_squeeze %dma_start3A_108 : memref<1x4096xf32, #tpu.memory_space<hbm>> -> memref<4096xf32, #tpu.memory_space<hbm>>
        tpu.enqueue_dma source(%arg7 : memref<4096xf32, #tpu.memory_space<vmem>>) target(%dma_start3A_109 : memref<4096xf32, #tpu.memory_space<hbm>>) target_semaphore(%arg9 : memref<!tpu.dma_semaphore, #tpu.memory_space<semaphore_mem>>)
        %parallel_loop3A_110 = arith.constant 0 : i32
        %parallel_loop3A_111 = arith.constant 4096 : i32
        %parallel_loop3A_112 = arith.constant 16 : i32
        scf.for %parallel_loop3A_160 = %parallel_loop3A_110 to %parallel_loop3A_111 step %parallel_loop3A_112  : i32 {
          %parallel_loop3A_161 = arith.constant 4096 : i32
          %parallel_loop3A_162 = arith.addi %parallel_loop3A_161, %parallel_loop3A_160 : i32
          %parallel_loop3A_163 = arith.index_cast %parallel_loop3A_162 : i32 to index
          %parallel_loop3A_164 = tpu.vector_load %arg6[%parallel_loop3A_163] {strides = array<i32>} : memref<16384xi32, #tpu.memory_space<vmem>>, vector<16xi32>,
          %parallel_loop3A_165 = tpu.vector_load_idx %arg5[%parallel_loop3A_164] : memref<100000xf32, #tpu.memory_space<vmem>>[vector<16xi32>], vector<16xf32>,
          %parallel_loop3A_166 = arith.index_cast %parallel_loop3A_160 : i32 to index
          %parallel_loop3A_167 = tpu.vector_load %arg8[%parallel_loop3A_166] {strides = array<i32>} : memref<4096xf32, #tpu.memory_space<vmem>>, vector<16xf32>,
          tpu.vector_store %arg8[%parallel_loop3A_166], %parallel_loop3A_165 {strides = array<i32>} : memref<4096xf32, #tpu.memory_space<vmem>>, vector<16xf32>,
        } {sc.loop_unroll_factor = 12 : i64, sc.parallel_access}
        %dma_start3A_113 = arith.constant 4096 : i32
        %dma_start3A_114 = tpu.memref_slice %arg4[%add3A_99, %dma_start3A_113] : memref<1300x16384xf32, #tpu.memory_space<hbm>> -> memref<1x4096xf32, #tpu.memory_space<hbm>>
        %dma_start3A_115 = tpu.memref_squeeze %dma_start3A_114 : memref<1x4096xf32, #tpu.memory_space<hbm>> -> memref<4096xf32, #tpu.memory_space<hbm>>
        %dma_start3A_116 = arith.constant 4096 : i32
        %dma_start3A_117 = tpu.memref_slice %arg4[%add3A_99, %dma_start3A_116] : memref<1300x16384xf32, #tpu.memory_space<hbm>> -> memref<1x4096xf32, #tpu.memory_space<hbm>>
        %dma_start3A_118 = tpu.memref_squeeze %dma_start3A_117 : memref<1x4096xf32, #tpu.memory_space<hbm>> -> memref<4096xf32, #tpu.memory_space<hbm>>
        tpu.enqueue_dma source(%arg8 : memref<4096xf32, #tpu.memory_space<vmem>>) target(%dma_start3A_118 : memref<4096xf32, #tpu.memory_space<hbm>>) target_semaphore(%arg10 : memref<!tpu.dma_semaphore, #tpu.memory_space<semaphore_mem>>)
        %dma_wait3A = arith.constant 0 : i32
        %dma_wait3A_119 = tpu.memref_slice %arg4[%add3A_99, %dma_wait3A] : memref<1300x16384xf32, #tpu.memory_space<hbm>> -> memref<1x4096xf32, #tpu.memory_space<hbm>>
        %dma_wait3A_120 = tpu.memref_squeeze %dma_wait3A_119 : memref<1x4096xf32, #tpu.memory_space<hbm>> -> memref<4096xf32, #tpu.memory_space<hbm>>
        %dma_wait3A_121 = arith.constant 0 : i32
        %dma_wait3A_122 = tpu.memref_slice %arg4[%add3A_99, %dma_wait3A_121] : memref<1300x16384xf32, #tpu.memory_space<hbm>> -> memref<1x4096xf32, #tpu.memory_space<hbm>>
        %dma_wait3A_123 = tpu.memref_squeeze %dma_wait3A_122 : memref<1x4096xf32, #tpu.memory_space<hbm>> -> memref<4096xf32, #tpu.memory_space<hbm>>
        tpu.wait_dma2 semaphore(%arg9 : memref<!tpu.dma_semaphore, #tpu.memory_space<semaphore_mem>>) src(%arg7 : memref<4096xf32, #tpu.memory_space<vmem>>) dst(%dma_wait3A_123 : memref<4096xf32, #tpu.memory_space<hbm>>)
        %parallel_loop3A_124 = arith.constant 0 : i32
        %parallel_loop3A_125 = arith.constant 4096 : i32
        %parallel_loop3A_126 = arith.constant 16 : i32
        scf.for %parallel_loop3A_160 = %parallel_loop3A_124 to %parallel_loop3A_125 step %parallel_loop3A_126  : i32 {
          %parallel_loop3A_161 = arith.constant 8192 : i32
          %parallel_loop3A_162 = arith.addi %parallel_loop3A_161, %parallel_loop3A_160 : i32
          %parallel_loop3A_163 = arith.index_cast %parallel_loop3A_162 : i32 to index
          %parallel_loop3A_164 = tpu.vector_load %arg6[%parallel_loop3A_163] {strides = array<i32>} : memref<16384xi32, #tpu.memory_space<vmem>>, vector<16xi32>,
          %parallel_loop3A_165 = tpu.vector_load_idx %arg5[%parallel_loop3A_164] : memref<100000xf32, #tpu.memory_space<vmem>>[vector<16xi32>], vector<16xf32>,
          %parallel_loop3A_166 = arith.index_cast %parallel_loop3A_160 : i32 to index
          %parallel_loop3A_167 = tpu.vector_load %arg7[%parallel_loop3A_166] {strides = array<i32>} : memref<4096xf32, #tpu.memory_space<vmem>>, vector<16xf32>,
          tpu.vector_store %arg7[%parallel_loop3A_166], %parallel_loop3A_165 {strides = array<i32>} : memref<4096xf32, #tpu.memory_space<vmem>>, vector<16xf32>,
        } {sc.loop_unroll_factor = 12 : i64, sc.parallel_access}
        %dma_start3A_127 = arith.constant 8192 : i32
        %dma_start3A_128 = tpu.memref_slice %arg4[%add3A_99, %dma_start3A_127] : memref<1300x16384xf32, #tpu.memory_space<hbm>> -> memref<1x4096xf32, #tpu.memory_space<hbm>>
        %dma_start3A_129 = tpu.memref_squeeze %dma_start3A_128 : memref<1x4096xf32, #tpu.memory_space<hbm>> -> memref<4096xf32, #tpu.memory_space<hbm>>
        %dma_start3A_130 = arith.constant 8192 : i32
        %dma_start3A_131 = tpu.memref_slice %arg4[%add3A_99, %dma_start3A_130] : memref<1300x16384xf32, #tpu.memory_space<hbm>> -> memref<1x4096xf32, #tpu.memory_space<hbm>>
        %dma_start3A_132 = tpu.memref_squeeze %dma_start3A_131 : memref<1x4096xf32, #tpu.memory_space<hbm>> -> memref<4096xf32, #tpu.memory_space<hbm>>
        tpu.enqueue_dma source(%arg7 : memref<4096xf32, #tpu.memory_space<vmem>>) target(%dma_start3A_132 : memref<4096xf32, #tpu.memory_space<hbm>>) target_semaphore(%arg9 : memref<!tpu.dma_semaphore, #tpu.memory_space<semaphore_mem>>)
        %dma_wait3A_133 = arith.constant 4096 : i32
        %dma_wait3A_134 = tpu.memref_slice %arg4[%add3A_99, %dma_wait3A_133] : memref<1300x16384xf32, #tpu.memory_space<hbm>> -> memref<1x4096xf32, #tpu.memory_space<hbm>>
        %dma_wait3A_135 = tpu.memref_squeeze %dma_wait3A_134 : memref<1x4096xf32, #tpu.memory_space<hbm>> -> memref<4096xf32, #tpu.memory_space<hbm>>
        %dma_wait3A_136 = arith.constant 4096 : i32
        %dma_wait3A_137 = tpu.memref_slice %arg4[%add3A_99, %dma_wait3A_136] : memref<1300x16384xf32, #tpu.memory_space<hbm>> -> memref<1x4096xf32, #tpu.memory_space<hbm>>
        %dma_wait3A_138 = tpu.memref_squeeze %dma_wait3A_137 : memref<1x4096xf32, #tpu.memory_space<hbm>> -> memref<4096xf32, #tpu.memory_space<hbm>>
        tpu.wait_dma2 semaphore(%arg10 : memref<!tpu.dma_semaphore, #tpu.memory_space<semaphore_mem>>) src(%arg8 : memref<4096xf32, #tpu.memory_space<vmem>>) dst(%dma_wait3A_138 : memref<4096xf32, #tpu.memory_space<hbm>>)
        %parallel_loop3A_139 = arith.constant 0 : i32
        %parallel_loop3A_140 = arith.constant 4096 : i32
        %parallel_loop3A_141 = arith.constant 16 : i32
        scf.for %parallel_loop3A_160 = %parallel_loop3A_139 to %parallel_loop3A_140 step %parallel_loop3A_141  : i32 {
          %parallel_loop3A_161 = arith.constant 12288 : i32
          %parallel_loop3A_162 = arith.addi %parallel_loop3A_161, %parallel_loop3A_160 : i32
          %parallel_loop3A_163 = arith.index_cast %parallel_loop3A_162 : i32 to index
          %parallel_loop3A_164 = tpu.vector_load %arg6[%parallel_loop3A_163] {strides = array<i32>} : memref<16384xi32, #tpu.memory_space<vmem>>, vector<16xi32>,
          %parallel_loop3A_165 = tpu.vector_load_idx %arg5[%parallel_loop3A_164] : memref<100000xf32, #tpu.memory_space<vmem>>[vector<16xi32>], vector<16xf32>,
          %parallel_loop3A_166 = arith.index_cast %parallel_loop3A_160 : i32 to index
          %parallel_loop3A_167 = tpu.vector_load %arg8[%parallel_loop3A_166] {strides = array<i32>} : memref<4096xf32, #tpu.memory_space<vmem>>, vector<16xf32>,
          tpu.vector_store %arg8[%parallel_loop3A_166], %parallel_loop3A_165 {strides = array<i32>} : memref<4096xf32, #tpu.memory_space<vmem>>, vector<16xf32>,
        } {sc.loop_unroll_factor = 12 : i64, sc.parallel_access}
        %dma_start3A_142 = arith.constant 12288 : i32
        %dma_start3A_143 = tpu.memref_slice %arg4[%add3A_99, %dma_start3A_142] : memref<1300x16384xf32, #tpu.memory_space<hbm>> -> memref<1x4096xf32, #tpu.memory_space<hbm>>
        %dma_start3A_144 = tpu.memref_squeeze %dma_start3A_143 : memref<1x4096xf32, #tpu.memory_space<hbm>> -> memref<4096xf32, #tpu.memory_space<hbm>>
        %dma_start3A_145 = arith.constant 12288 : i32
        %dma_start3A_146 = tpu.memref_slice %arg4[%add3A_99, %dma_start3A_145] : memref<1300x16384xf32, #tpu.memory_space<hbm>> -> memref<1x4096xf32, #tpu.memory_space<hbm>>
        %dma_start3A_147 = tpu.memref_squeeze %dma_start3A_146 : memref<1x4096xf32, #tpu.memory_space<hbm>> -> memref<4096xf32, #tpu.memory_space<hbm>>
        tpu.enqueue_dma source(%arg8 : memref<4096xf32, #tpu.memory_space<vmem>>) target(%dma_start3A_147 : memref<4096xf32, #tpu.memory_space<hbm>>) target_semaphore(%arg10 : memref<!tpu.dma_semaphore, #tpu.memory_space<semaphore_mem>>)
        %dma_wait3A_148 = arith.constant 8192 : i32
        %dma_wait3A_149 = tpu.memref_slice %arg4[%add3A_99, %dma_wait3A_148] : memref<1300x16384xf32, #tpu.memory_space<hbm>> -> memref<1x4096xf32, #tpu.memory_space<hbm>>
        %dma_wait3A_150 = tpu.memref_squeeze %dma_wait3A_149 : memref<1x4096xf32, #tpu.memory_space<hbm>> -> memref<4096xf32, #tpu.memory_space<hbm>>
        %dma_wait3A_151 = arith.constant 8192 : i32
        %dma_wait3A_152 = tpu.memref_slice %arg4[%add3A_99, %dma_wait3A_151] : memref<1300x16384xf32, #tpu.memory_space<hbm>> -> memref<1x4096xf32, #tpu.memory_space<hbm>>
        %dma_wait3A_153 = tpu.memref_squeeze %dma_wait3A_152 : memref<1x4096xf32, #tpu.memory_space<hbm>> -> memref<4096xf32, #tpu.memory_space<hbm>>
        tpu.wait_dma2 semaphore(%arg9 : memref<!tpu.dma_semaphore, #tpu.memory_space<semaphore_mem>>) src(%arg7 : memref<4096xf32, #tpu.memory_space<vmem>>) dst(%dma_wait3A_153 : memref<4096xf32, #tpu.memory_space<hbm>>)
        %dma_wait3A_154 = arith.constant 12288 : i32
        %dma_wait3A_155 = tpu.memref_slice %arg4[%add3A_99, %dma_wait3A_154] : memref<1300x16384xf32, #tpu.memory_space<hbm>> -> memref<1x4096xf32, #tpu.memory_space<hbm>>
        %dma_wait3A_156 = tpu.memref_squeeze %dma_wait3A_155 : memref<1x4096xf32, #tpu.memory_space<hbm>> -> memref<4096xf32, #tpu.memory_space<hbm>>
        %dma_wait3A_157 = arith.constant 12288 : i32
        %dma_wait3A_158 = tpu.memref_slice %arg4[%add3A_99, %dma_wait3A_157] : memref<1300x16384xf32, #tpu.memory_space<hbm>> -> memref<1x4096xf32, #tpu.memory_space<hbm>>
        %dma_wait3A_159 = tpu.memref_squeeze %dma_wait3A_158 : memref<1x4096xf32, #tpu.memory_space<hbm>> -> memref<4096xf32, #tpu.memory_space<hbm>>
        tpu.wait_dma2 semaphore(%arg10 : memref<!tpu.dma_semaphore, #tpu.memory_space<semaphore_mem>>) src(%arg8 : memref<4096xf32, #tpu.memory_space<vmem>>) dst(%dma_wait3A_159 : memref<4096xf32, #tpu.memory_space<hbm>>)
      }
    }
    %while3A_69 = arith.constant 1 : i32
    scf.for %while3A_70 = %while3A_67 to %while3A_63 step %while3A_69  : i32 {
      %mul3A_71 = arith.muli %while3A_70, %while3A : i32
      %add3A_72 = arith.addi %select_n3A_25, %mul3A_71 : i32
      "tpu.region"() ({
        %run_scoped3A = tpu.sem_alloc : memref<!tpu.dma_semaphore, #tpu.memory_space<semaphore_mem>>
        %dma_start3A = arith.constant 0 : i32
        %dma_start3A_97 = tpu.memref_slice %arg3[%add3A_72, %dma_start3A] : memref<26x16384xi32, #tpu.memory_space<hbm>> -> memref<1x16384xi32, #tpu.memory_space<hbm>>
        %dma_start3A_98 = tpu.memref_squeeze %dma_start3A_97 : memref<1x16384xi32, #tpu.memory_space<hbm>> -> memref<16384xi32, #tpu.memory_space<hbm>>
        %dma_start3A_99 = arith.constant 0 : i32
        %dma_start3A_100 = tpu.memref_slice %arg3[%add3A_72, %dma_start3A_99] : memref<26x16384xi32, #tpu.memory_space<hbm>> -> memref<1x16384xi32, #tpu.memory_space<hbm>>
        %dma_start3A_101 = tpu.memref_squeeze %dma_start3A_100 : memref<1x16384xi32, #tpu.memory_space<hbm>> -> memref<16384xi32, #tpu.memory_space<hbm>>
        tpu.enqueue_dma source(%dma_start3A_101 : memref<16384xi32, #tpu.memory_space<hbm>>) target(%arg6 : memref<16384xi32, #tpu.memory_space<vmem>>) target_semaphore(%run_scoped3A : memref<!tpu.dma_semaphore, #tpu.memory_space<semaphore_mem>>)
        %dma_wait3A = arith.constant 0 : i32
        %dma_wait3A_102 = tpu.memref_slice %arg3[%add3A_72, %dma_wait3A] : memref<26x16384xi32, #tpu.memory_space<hbm>> -> memref<1x16384xi32, #tpu.memory_space<hbm>>
        %dma_wait3A_103 = tpu.memref_squeeze %dma_wait3A_102 : memref<1x16384xi32, #tpu.memory_space<hbm>> -> memref<16384xi32, #tpu.memory_space<hbm>>
        %dma_wait3A_104 = arith.constant 0 : i32
        %dma_wait3A_105 = tpu.memref_slice %arg3[%add3A_72, %dma_wait3A_104] : memref<26x16384xi32, #tpu.memory_space<hbm>> -> memref<1x16384xi32, #tpu.memory_space<hbm>>
        %dma_wait3A_106 = tpu.memref_squeeze %dma_wait3A_105 : memref<1x16384xi32, #tpu.memory_space<hbm>> -> memref<16384xi32, #tpu.memory_space<hbm>>
        tpu.wait_dma2 semaphore(%run_scoped3A : memref<!tpu.dma_semaphore, #tpu.memory_space<semaphore_mem>>) src(%dma_wait3A_106 : memref<16384xi32, #tpu.memory_space<hbm>>) dst(%arg6 : memref<16384xi32, #tpu.memory_space<vmem>>)
        tpu.yield
      }) : () -> ()
      %mul3A_73 = arith.constant 50 : i32
      %mul3A_74 = arith.muli %mul3A_73, %add3A_72 : i32
      %max3A = arith.maxsi %add3A_4, %mul3A_74 : i32
      %add3A_75 = arith.constant 1 : i32
      %add3A_76 = arith.addi %add3A_72, %add3A_75 : i32
      %mul3A_77 = arith.constant 50 : i32
      %mul3A_78 = arith.muli %mul3A_77, %add3A_76 : i32
      %min3A_79 = arith.minsi %add3A_7, %mul3A_78 : i32
      %sub3A_80 = arith.subi %min3A_79, %max3A : i32
      %sub3A_81 = arith.constant 1 : i32
      %sub3A_82 = arith.constant 1 : i32
      %sub3A_83 = arith.subi %sub3A_81, %sub3A_82 : i32
      %add3A_84 = arith.addi %sub3A_80, %sub3A_83 : i32
      %div3A_85 = arith.constant 1 : i32
      %div3A_86 = arith.divsi %add3A_84, %div3A_85 : i32
      %while3A_87 = arith.constant 1 : i32
      %while3A_88 = arith.constant 0 : i32
      %while3A_89 = arith.subi %div3A_86, %while3A_88 : i32
      %while3A_90 = arith.addi %while3A_88, %while3A_89 : i32
      %while3A_91 = arith.constant 1 : i32
      %while3A_92 = arith.divsi %while3A_89, %while3A_91 : i32
      %while3A_93 = arith.muli %while3A_92, %while3A_91 : i32
      %while3A_94 = arith.addi %while3A_88, %while3A_93 : i32
      %while3A_95 = arith.constant 1 : i32
      scf.for %while3A_97 = %while3A_88 to %while3A_94 step %while3A_95  : i32 {
        %mul3A_98 = arith.muli %while3A_97, %while3A_87 : i32
        %add3A_99 = arith.addi %max3A, %mul3A_98 : i32
        %mul3A_100 = arith.constant 50 : i32
        %mul3A_101 = arith.muli %mul3A_100, %add3A_72 : i32
        %sub3A_102 = arith.subi %add3A_99, %mul3A_101 : i32
        "tpu.region"() ({
          %run_scoped3A = tpu.sem_alloc : memref<!tpu.dma_semaphore, #tpu.memory_space<semaphore_mem>>
          %dma_start3A_160 = arith.constant 0 : i32
          %dma_start3A_161 = tpu.memref_slice %arg2[%add3A_72, %sub3A_102, %dma_start3A_160] : memref<26x50x100000xf32, #tpu.memory_space<hbm>> -> memref<1x1x100000xf32, #tpu.memory_space<hbm>>
          %dma_start3A_162 = tpu.memref_squeeze %dma_start3A_161 : memref<1x1x100000xf32, #tpu.memory_space<hbm>> -> memref<100000xf32, #tpu.memory_space<hbm>>
          %dma_start3A_163 = arith.constant 0 : i32
          %dma_start3A_164 = tpu.memref_slice %arg2[%add3A_72, %sub3A_102, %dma_start3A_163] : memref<26x50x100000xf32, #tpu.memory_space<hbm>> -> memref<1x1x100000xf32, #tpu.memory_space<hbm>>
          %dma_start3A_165 = tpu.memref_squeeze %dma_start3A_164 : memref<1x1x100000xf32, #tpu.memory_space<hbm>> -> memref<100000xf32, #tpu.memory_space<hbm>>
          tpu.enqueue_dma source(%dma_start3A_165 : memref<100000xf32, #tpu.memory_space<hbm>>) target(%arg5 : memref<100000xf32, #tpu.memory_space<vmem>>) target_semaphore(%run_scoped3A : memref<!tpu.dma_semaphore, #tpu.memory_space<semaphore_mem>>)
          %dma_wait3A_166 = arith.constant 0 : i32
          %dma_wait3A_167 = tpu.memref_slice %arg2[%add3A_72, %sub3A_102, %dma_wait3A_166] : memref<26x50x100000xf32, #tpu.memory_space<hbm>> -> memref<1x1x100000xf32, #tpu.memory_space<hbm>>
          %dma_wait3A_168 = tpu.memref_squeeze %dma_wait3A_167 : memref<1x1x100000xf32, #tpu.memory_space<hbm>> -> memref<100000xf32, #tpu.memory_space<hbm>>
          %dma_wait3A_169 = arith.constant 0 : i32
          %dma_wait3A_170 = tpu.memref_slice %arg2[%add3A_72, %sub3A_102, %dma_wait3A_169] : memref<26x50x100000xf32, #tpu.memory_space<hbm>> -> memref<1x1x100000xf32, #tpu.memory_space<hbm>>
          %dma_wait3A_171 = tpu.memref_squeeze %dma_wait3A_170 : memref<1x1x100000xf32, #tpu.memory_space<hbm>> -> memref<100000xf32, #tpu.memory_space<hbm>>
          tpu.wait_dma2 semaphore(%run_scoped3A : memref<!tpu.dma_semaphore, #tpu.memory_space<semaphore_mem>>) src(%dma_wait3A_171 : memref<100000xf32, #tpu.memory_space<hbm>>) dst(%arg5 : memref<100000xf32, #tpu.memory_space<vmem>>)
          tpu.yield
        }) : () -> ()
        %parallel_loop3A = arith.constant 0 : i32
        %parallel_loop3A_103 = arith.constant 4096 : i32
        %parallel_loop3A_104 = arith.constant 16 : i32
        scf.for %parallel_loop3A_160 = %parallel_loop3A to %parallel_loop3A_103 step %parallel_loop3A_104  : i32 {
          %parallel_loop3A_161 = arith.constant 0 : i32
          %parallel_loop3A_162 = arith.addi %parallel_loop3A_161, %parallel_loop3A_160 : i32
          %parallel_loop3A_163 = arith.index_cast %parallel_loop3A_162 : i32 to index
          %parallel_loop3A_164 = tpu.vector_load %arg6[%parallel_loop3A_163] {strides = array<i32>} : memref<16384xi32, #tpu.memory_space<vmem>>, vector<16xi32>,
          %parallel_loop3A_165 = tpu.vector_load_idx %arg5[%parallel_loop3A_164] : memref<100000xf32, #tpu.memory_space<vmem>>[vector<16xi32>], vector<16xf32>,
          %parallel_loop3A_166 = arith.index_cast %parallel_loop3A_160 : i32 to index
          %parallel_loop3A_167 = tpu.vector_load %arg7[%parallel_loop3A_166] {strides = array<i32>} : memref<4096xf32, #tpu.memory_space<vmem>>, vector<16xf32>,
          tpu.vector_store %arg7[%parallel_loop3A_166], %parallel_loop3A_165 {strides = array<i32>} : memref<4096xf32, #tpu.memory_space<vmem>>, vector<16xf32>,
        } {sc.loop_unroll_factor = 12 : i64, sc.parallel_access}
        %dma_start3A = arith.constant 0 : i32
        %dma_start3A_105 = tpu.memref_slice %arg4[%add3A_99, %dma_start3A] : memref<1300x16384xf32, #tpu.memory_space<hbm>> -> memref<1x4096xf32, #tpu.memory_space<hbm>>
        %dma_start3A_106 = tpu.memref_squeeze %dma_start3A_105 : memref<1x4096xf32, #tpu.memory_space<hbm>> -> memref<4096xf32, #tpu.memory_space<hbm>>
        %dma_start3A_107 = arith.constant 0 : i32
        %dma_start3A_108 = tpu.memref_slice %arg4[%add3A_99, %dma_start3A_107] : memref<1300x16384xf32, #tpu.memory_space<hbm>> -> memref<1x4096xf32, #tpu.memory_space<hbm>>
        %dma_start3A_109 = tpu.memref_squeeze %dma_start3A_108 : memref<1x4096xf32, #tpu.memory_space<hbm>> -> memref<4096xf32, #tpu.memory_space<hbm>>
        tpu.enqueue_dma source(%arg7 : memref<4096xf32, #tpu.memory_space<vmem>>) target(%dma_start3A_109 : memref<4096xf32, #tpu.memory_space<hbm>>) target_semaphore(%arg9 : memref<!tpu.dma_semaphore, #tpu.memory_space<semaphore_mem>>)
        %parallel_loop3A_110 = arith.constant 0 : i32
        %parallel_loop3A_111 = arith.constant 4096 : i32
        %parallel_loop3A_112 = arith.constant 16 : i32
        scf.for %parallel_loop3A_160 = %parallel_loop3A_110 to %parallel_loop3A_111 step %parallel_loop3A_112  : i32 {
          %parallel_loop3A_161 = arith.constant 4096 : i32
          %parallel_loop3A_162 = arith.addi %parallel_loop3A_161, %parallel_loop3A_160 : i32
          %parallel_loop3A_163 = arith.index_cast %parallel_loop3A_162 : i32 to index
          %parallel_loop3A_164 = tpu.vector_load %arg6[%parallel_loop3A_163] {strides = array<i32>} : memref<16384xi32, #tpu.memory_space<vmem>>, vector<16xi32>,
          %parallel_loop3A_165 = tpu.vector_load_idx %arg5[%parallel_loop3A_164] : memref<100000xf32, #tpu.memory_space<vmem>>[vector<16xi32>], vector<16xf32>,
          %parallel_loop3A_166 = arith.index_cast %parallel_loop3A_160 : i32 to index
          %parallel_loop3A_167 = tpu.vector_load %arg8[%parallel_loop3A_166] {strides = array<i32>} : memref<4096xf32, #tpu.memory_space<vmem>>, vector<16xf32>,
          tpu.vector_store %arg8[%parallel_loop3A_166], %parallel_loop3A_165 {strides = array<i32>} : memref<4096xf32, #tpu.memory_space<vmem>>, vector<16xf32>,
        } {sc.loop_unroll_factor = 12 : i64, sc.parallel_access}
        %dma_start3A_113 = arith.constant 4096 : i32
        %dma_start3A_114 = tpu.memref_slice %arg4[%add3A_99, %dma_start3A_113] : memref<1300x16384xf32, #tpu.memory_space<hbm>> -> memref<1x4096xf32, #tpu.memory_space<hbm>>
        %dma_start3A_115 = tpu.memref_squeeze %dma_start3A_114 : memref<1x4096xf32, #tpu.memory_space<hbm>> -> memref<4096xf32, #tpu.memory_space<hbm>>
        %dma_start3A_116 = arith.constant 4096 : i32
        %dma_start3A_117 = tpu.memref_slice %arg4[%add3A_99, %dma_start3A_116] : memref<1300x16384xf32, #tpu.memory_space<hbm>> -> memref<1x4096xf32, #tpu.memory_space<hbm>>
        %dma_start3A_118 = tpu.memref_squeeze %dma_start3A_117 : memref<1x4096xf32, #tpu.memory_space<hbm>> -> memref<4096xf32, #tpu.memory_space<hbm>>
        tpu.enqueue_dma source(%arg8 : memref<4096xf32, #tpu.memory_space<vmem>>) target(%dma_start3A_118 : memref<4096xf32, #tpu.memory_space<hbm>>) target_semaphore(%arg10 : memref<!tpu.dma_semaphore, #tpu.memory_space<semaphore_mem>>)
        %dma_wait3A = arith.constant 0 : i32
        %dma_wait3A_119 = tpu.memref_slice %arg4[%add3A_99, %dma_wait3A] : memref<1300x16384xf32, #tpu.memory_space<hbm>> -> memref<1x4096xf32, #tpu.memory_space<hbm>>
        %dma_wait3A_120 = tpu.memref_squeeze %dma_wait3A_119 : memref<1x4096xf32, #tpu.memory_space<hbm>> -> memref<4096xf32, #tpu.memory_space<hbm>>
        %dma_wait3A_121 = arith.constant 0 : i32
        %dma_wait3A_122 = tpu.memref_slice %arg4[%add3A_99, %dma_wait3A_121] : memref<1300x16384xf32, #tpu.memory_space<hbm>> -> memref<1x4096xf32, #tpu.memory_space<hbm>>
        %dma_wait3A_123 = tpu.memref_squeeze %dma_wait3A_122 : memref<1x4096xf32, #tpu.memory_space<hbm>> -> memref<4096xf32, #tpu.memory_space<hbm>>
        tpu.wait_dma2 semaphore(%arg9 : memref<!tpu.dma_semaphore, #tpu.memory_space<semaphore_mem>>) src(%arg7 : memref<4096xf32, #tpu.memory_space<vmem>>) dst(%dma_wait3A_123 : memref<4096xf32, #tpu.memory_space<hbm>>)
        %parallel_loop3A_124 = arith.constant 0 : i32
        %parallel_loop3A_125 = arith.constant 4096 : i32
        %parallel_loop3A_126 = arith.constant 16 : i32
        scf.for %parallel_loop3A_160 = %parallel_loop3A_124 to %parallel_loop3A_125 step %parallel_loop3A_126  : i32 {
          %parallel_loop3A_161 = arith.constant 8192 : i32
          %parallel_loop3A_162 = arith.addi %parallel_loop3A_161, %parallel_loop3A_160 : i32
          %parallel_loop3A_163 = arith.index_cast %parallel_loop3A_162 : i32 to index
          %parallel_loop3A_164 = tpu.vector_load %arg6[%parallel_loop3A_163] {strides = array<i32>} : memref<16384xi32, #tpu.memory_space<vmem>>, vector<16xi32>,
          %parallel_loop3A_165 = tpu.vector_load_idx %arg5[%parallel_loop3A_164] : memref<100000xf32, #tpu.memory_space<vmem>>[vector<16xi32>], vector<16xf32>,
          %parallel_loop3A_166 = arith.index_cast %parallel_loop3A_160 : i32 to index
          %parallel_loop3A_167 = tpu.vector_load %arg7[%parallel_loop3A_166] {strides = array<i32>} : memref<4096xf32, #tpu.memory_space<vmem>>, vector<16xf32>,
          tpu.vector_store %arg7[%parallel_loop3A_166], %parallel_loop3A_165 {strides = array<i32>} : memref<4096xf32, #tpu.memory_space<vmem>>, vector<16xf32>,
        } {sc.loop_unroll_factor = 12 : i64, sc.parallel_access}
        %dma_start3A_127 = arith.constant 8192 : i32
        %dma_start3A_128 = tpu.memref_slice %arg4[%add3A_99, %dma_start3A_127] : memref<1300x16384xf32, #tpu.memory_space<hbm>> -> memref<1x4096xf32, #tpu.memory_space<hbm>>
        %dma_start3A_129 = tpu.memref_squeeze %dma_start3A_128 : memref<1x4096xf32, #tpu.memory_space<hbm>> -> memref<4096xf32, #tpu.memory_space<hbm>>
        %dma_start3A_130 = arith.constant 8192 : i32
        %dma_start3A_131 = tpu.memref_slice %arg4[%add3A_99, %dma_start3A_130] : memref<1300x16384xf32, #tpu.memory_space<hbm>> -> memref<1x4096xf32, #tpu.memory_space<hbm>>
        %dma_start3A_132 = tpu.memref_squeeze %dma_start3A_131 : memref<1x4096xf32, #tpu.memory_space<hbm>> -> memref<4096xf32, #tpu.memory_space<hbm>>
        tpu.enqueue_dma source(%arg7 : memref<4096xf32, #tpu.memory_space<vmem>>) target(%dma_start3A_132 : memref<4096xf32, #tpu.memory_space<hbm>>) target_semaphore(%arg9 : memref<!tpu.dma_semaphore, #tpu.memory_space<semaphore_mem>>)
        %dma_wait3A_133 = arith.constant 4096 : i32
        %dma_wait3A_134 = tpu.memref_slice %arg4[%add3A_99, %dma_wait3A_133] : memref<1300x16384xf32, #tpu.memory_space<hbm>> -> memref<1x4096xf32, #tpu.memory_space<hbm>>
        %dma_wait3A_135 = tpu.memref_squeeze %dma_wait3A_134 : memref<1x4096xf32, #tpu.memory_space<hbm>> -> memref<4096xf32, #tpu.memory_space<hbm>>
        %dma_wait3A_136 = arith.constant 4096 : i32
        %dma_wait3A_137 = tpu.memref_slice %arg4[%add3A_99, %dma_wait3A_136] : memref<1300x16384xf32, #tpu.memory_space<hbm>> -> memref<1x4096xf32, #tpu.memory_space<hbm>>
        %dma_wait3A_138 = tpu.memref_squeeze %dma_wait3A_137 : memref<1x4096xf32, #tpu.memory_space<hbm>> -> memref<4096xf32, #tpu.memory_space<hbm>>
        tpu.wait_dma2 semaphore(%arg10 : memref<!tpu.dma_semaphore, #tpu.memory_space<semaphore_mem>>) src(%arg8 : memref<4096xf32, #tpu.memory_space<vmem>>) dst(%dma_wait3A_138 : memref<4096xf32, #tpu.memory_space<hbm>>)
        %parallel_loop3A_139 = arith.constant 0 : i32
        %parallel_loop3A_140 = arith.constant 4096 : i32
        %parallel_loop3A_141 = arith.constant 16 : i32
        scf.for %parallel_loop3A_160 = %parallel_loop3A_139 to %parallel_loop3A_140 step %parallel_loop3A_141  : i32 {
          %parallel_loop3A_161 = arith.constant 12288 : i32
          %parallel_loop3A_162 = arith.addi %parallel_loop3A_161, %parallel_loop3A_160 : i32
          %parallel_loop3A_163 = arith.index_cast %parallel_loop3A_162 : i32 to index
          %parallel_loop3A_164 = tpu.vector_load %arg6[%parallel_loop3A_163] {strides = array<i32>} : memref<16384xi32, #tpu.memory_space<vmem>>, vector<16xi32>,
          %parallel_loop3A_165 = tpu.vector_load_idx %arg5[%parallel_loop3A_164] : memref<100000xf32, #tpu.memory_space<vmem>>[vector<16xi32>], vector<16xf32>,
          %parallel_loop3A_166 = arith.index_cast %parallel_loop3A_160 : i32 to index
          %parallel_loop3A_167 = tpu.vector_load %arg8[%parallel_loop3A_166] {strides = array<i32>} : memref<4096xf32, #tpu.memory_space<vmem>>, vector<16xf32>,
          tpu.vector_store %arg8[%parallel_loop3A_166], %parallel_loop3A_165 {strides = array<i32>} : memref<4096xf32, #tpu.memory_space<vmem>>, vector<16xf32>,
        } {sc.loop_unroll_factor = 12 : i64, sc.parallel_access}
        %dma_start3A_142 = arith.constant 12288 : i32
        %dma_start3A_143 = tpu.memref_slice %arg4[%add3A_99, %dma_start3A_142] : memref<1300x16384xf32, #tpu.memory_space<hbm>> -> memref<1x4096xf32, #tpu.memory_space<hbm>>
        %dma_start3A_144 = tpu.memref_squeeze %dma_start3A_143 : memref<1x4096xf32, #tpu.memory_space<hbm>> -> memref<4096xf32, #tpu.memory_space<hbm>>
        %dma_start3A_145 = arith.constant 12288 : i32
        %dma_start3A_146 = tpu.memref_slice %arg4[%add3A_99, %dma_start3A_145] : memref<1300x16384xf32, #tpu.memory_space<hbm>> -> memref<1x4096xf32, #tpu.memory_space<hbm>>
        %dma_start3A_147 = tpu.memref_squeeze %dma_start3A_146 : memref<1x4096xf32, #tpu.memory_space<hbm>> -> memref<4096xf32, #tpu.memory_space<hbm>>
        tpu.enqueue_dma source(%arg8 : memref<4096xf32, #tpu.memory_space<vmem>>) target(%dma_start3A_147 : memref<4096xf32, #tpu.memory_space<hbm>>) target_semaphore(%arg10 : memref<!tpu.dma_semaphore, #tpu.memory_space<semaphore_mem>>)
        %dma_wait3A_148 = arith.constant 8192 : i32
        %dma_wait3A_149 = tpu.memref_slice %arg4[%add3A_99, %dma_wait3A_148] : memref<1300x16384xf32, #tpu.memory_space<hbm>> -> memref<1x4096xf32, #tpu.memory_space<hbm>>
        %dma_wait3A_150 = tpu.memref_squeeze %dma_wait3A_149 : memref<1x4096xf32, #tpu.memory_space<hbm>> -> memref<4096xf32, #tpu.memory_space<hbm>>
        %dma_wait3A_151 = arith.constant 8192 : i32
        %dma_wait3A_152 = tpu.memref_slice %arg4[%add3A_99, %dma_wait3A_151] : memref<1300x16384xf32, #tpu.memory_space<hbm>> -> memref<1x4096xf32, #tpu.memory_space<hbm>>
        %dma_wait3A_153 = tpu.memref_squeeze %dma_wait3A_152 : memref<1x4096xf32, #tpu.memory_space<hbm>> -> memref<4096xf32, #tpu.memory_space<hbm>>
        tpu.wait_dma2 semaphore(%arg9 : memref<!tpu.dma_semaphore, #tpu.memory_space<semaphore_mem>>) src(%arg7 : memref<4096xf32, #tpu.memory_space<vmem>>) dst(%dma_wait3A_153 : memref<4096xf32, #tpu.memory_space<hbm>>)
        %dma_wait3A_154 = arith.constant 12288 : i32
        %dma_wait3A_155 = tpu.memref_slice %arg4[%add3A_99, %dma_wait3A_154] : memref<1300x16384xf32, #tpu.memory_space<hbm>> -> memref<1x4096xf32, #tpu.memory_space<hbm>>
        %dma_wait3A_156 = tpu.memref_squeeze %dma_wait3A_155 : memref<1x4096xf32, #tpu.memory_space<hbm>> -> memref<4096xf32, #tpu.memory_space<hbm>>
        %dma_wait3A_157 = arith.constant 12288 : i32
        %dma_wait3A_158 = tpu.memref_slice %arg4[%add3A_99, %dma_wait3A_157] : memref<1300x16384xf32, #tpu.memory_space<hbm>> -> memref<1x4096xf32, #tpu.memory_space<hbm>>
        %dma_wait3A_159 = tpu.memref_squeeze %dma_wait3A_158 : memref<1x4096xf32, #tpu.memory_space<hbm>> -> memref<4096xf32, #tpu.memory_space<hbm>>
        tpu.wait_dma2 semaphore(%arg10 : memref<!tpu.dma_semaphore, #tpu.memory_space<semaphore_mem>>) src(%arg8 : memref<4096xf32, #tpu.memory_space<vmem>>) dst(%dma_wait3A_159 : memref<4096xf32, #tpu.memory_space<hbm>>)
      }
      %while3A_96 = arith.constant 1 : i32
      scf.for %while3A_97 = %while3A_94 to %while3A_90 step %while3A_96  : i32 {
        %mul3A_98 = arith.muli %while3A_97, %while3A_87 : i32
        %add3A_99 = arith.addi %max3A, %mul3A_98 : i32
        %mul3A_100 = arith.constant 50 : i32
        %mul3A_101 = arith.muli %mul3A_100, %add3A_72 : i32
        %sub3A_102 = arith.subi %add3A_99, %mul3A_101 : i32
        "tpu.region"() ({
          %run_scoped3A = tpu.sem_alloc : memref<!tpu.dma_semaphore, #tpu.memory_space<semaphore_mem>>
          %dma_start3A_160 = arith.constant 0 : i32
          %dma_start3A_161 = tpu.memref_slice %arg2[%add3A_72, %sub3A_102, %dma_start3A_160] : memref<26x50x100000xf32, #tpu.memory_space<hbm>> -> memref<1x1x100000xf32, #tpu.memory_space<hbm>>
          %dma_start3A_162 = tpu.memref_squeeze %dma_start3A_161 : memref<1x1x100000xf32, #tpu.memory_space<hbm>> -> memref<100000xf32, #tpu.memory_space<hbm>>
          %dma_start3A_163 = arith.constant 0 : i32
          %dma_start3A_164 = tpu.memref_slice %arg2[%add3A_72, %sub3A_102, %dma_start3A_163] : memref<26x50x100000xf32, #tpu.memory_space<hbm>> -> memref<1x1x100000xf32, #tpu.memory_space<hbm>>
          %dma_start3A_165 = tpu.memref_squeeze %dma_start3A_164 : memref<1x1x100000xf32, #tpu.memory_space<hbm>> -> memref<100000xf32, #tpu.memory_space<hbm>>
          tpu.enqueue_dma source(%dma_start3A_165 : memref<100000xf32, #tpu.memory_space<hbm>>) target(%arg5 : memref<100000xf32, #tpu.memory_space<vmem>>) target_semaphore(%run_scoped3A : memref<!tpu.dma_semaphore, #tpu.memory_space<semaphore_mem>>)
          %dma_wait3A_166 = arith.constant 0 : i32
          %dma_wait3A_167 = tpu.memref_slice %arg2[%add3A_72, %sub3A_102, %dma_wait3A_166] : memref<26x50x100000xf32, #tpu.memory_space<hbm>> -> memref<1x1x100000xf32, #tpu.memory_space<hbm>>
          %dma_wait3A_168 = tpu.memref_squeeze %dma_wait3A_167 : memref<1x1x100000xf32, #tpu.memory_space<hbm>> -> memref<100000xf32, #tpu.memory_space<hbm>>
          %dma_wait3A_169 = arith.constant 0 : i32
          %dma_wait3A_170 = tpu.memref_slice %arg2[%add3A_72, %sub3A_102, %dma_wait3A_169] : memref<26x50x100000xf32, #tpu.memory_space<hbm>> -> memref<1x1x100000xf32, #tpu.memory_space<hbm>>
          %dma_wait3A_171 = tpu.memref_squeeze %dma_wait3A_170 : memref<1x1x100000xf32, #tpu.memory_space<hbm>> -> memref<100000xf32, #tpu.memory_space<hbm>>
          tpu.wait_dma2 semaphore(%run_scoped3A : memref<!tpu.dma_semaphore, #tpu.memory_space<semaphore_mem>>) src(%dma_wait3A_171 : memref<100000xf32, #tpu.memory_space<hbm>>) dst(%arg5 : memref<100000xf32, #tpu.memory_space<vmem>>)
          tpu.yield
        }) : () -> ()
        %parallel_loop3A = arith.constant 0 : i32
        %parallel_loop3A_103 = arith.constant 4096 : i32
        %parallel_loop3A_104 = arith.constant 16 : i32
        scf.for %parallel_loop3A_160 = %parallel_loop3A to %parallel_loop3A_103 step %parallel_loop3A_104  : i32 {
          %parallel_loop3A_161 = arith.constant 0 : i32
          %parallel_loop3A_162 = arith.addi %parallel_loop3A_161, %parallel_loop3A_160 : i32
          %parallel_loop3A_163 = arith.index_cast %parallel_loop3A_162 : i32 to index
          %parallel_loop3A_164 = tpu.vector_load %arg6[%parallel_loop3A_163] {strides = array<i32>} : memref<16384xi32, #tpu.memory_space<vmem>>, vector<16xi32>,
          %parallel_loop3A_165 = tpu.vector_load_idx %arg5[%parallel_loop3A_164] : memref<100000xf32, #tpu.memory_space<vmem>>[vector<16xi32>], vector<16xf32>,
          %parallel_loop3A_166 = arith.index_cast %parallel_loop3A_160 : i32 to index
          %parallel_loop3A_167 = tpu.vector_load %arg7[%parallel_loop3A_166] {strides = array<i32>} : memref<4096xf32, #tpu.memory_space<vmem>>, vector<16xf32>,
          tpu.vector_store %arg7[%parallel_loop3A_166], %parallel_loop3A_165 {strides = array<i32>} : memref<4096xf32, #tpu.memory_space<vmem>>, vector<16xf32>,
        } {sc.loop_unroll_factor = 12 : i64, sc.parallel_access}
        %dma_start3A = arith.constant 0 : i32
        %dma_start3A_105 = tpu.memref_slice %arg4[%add3A_99, %dma_start3A] : memref<1300x16384xf32, #tpu.memory_space<hbm>> -> memref<1x4096xf32, #tpu.memory_space<hbm>>
        %dma_start3A_106 = tpu.memref_squeeze %dma_start3A_105 : memref<1x4096xf32, #tpu.memory_space<hbm>> -> memref<4096xf32, #tpu.memory_space<hbm>>
        %dma_start3A_107 = arith.constant 0 : i32
        %dma_start3A_108 = tpu.memref_slice %arg4[%add3A_99, %dma_start3A_107] : memref<1300x16384xf32, #tpu.memory_space<hbm>> -> memref<1x4096xf32, #tpu.memory_space<hbm>>
        %dma_start3A_109 = tpu.memref_squeeze %dma_start3A_108 : memref<1x4096xf32, #tpu.memory_space<hbm>> -> memref<4096xf32, #tpu.memory_space<hbm>>
        tpu.enqueue_dma source(%arg7 : memref<4096xf32, #tpu.memory_space<vmem>>) target(%dma_start3A_109 : memref<4096xf32, #tpu.memory_space<hbm>>) target_semaphore(%arg9 : memref<!tpu.dma_semaphore, #tpu.memory_space<semaphore_mem>>)
        %parallel_loop3A_110 = arith.constant 0 : i32
        %parallel_loop3A_111 = arith.constant 4096 : i32
        %parallel_loop3A_112 = arith.constant 16 : i32
        scf.for %parallel_loop3A_160 = %parallel_loop3A_110 to %parallel_loop3A_111 step %parallel_loop3A_112  : i32 {
          %parallel_loop3A_161 = arith.constant 4096 : i32
          %parallel_loop3A_162 = arith.addi %parallel_loop3A_161, %parallel_loop3A_160 : i32
          %parallel_loop3A_163 = arith.index_cast %parallel_loop3A_162 : i32 to index
          %parallel_loop3A_164 = tpu.vector_load %arg6[%parallel_loop3A_163] {strides = array<i32>} : memref<16384xi32, #tpu.memory_space<vmem>>, vector<16xi32>,
          %parallel_loop3A_165 = tpu.vector_load_idx %arg5[%parallel_loop3A_164] : memref<100000xf32, #tpu.memory_space<vmem>>[vector<16xi32>], vector<16xf32>,
          %parallel_loop3A_166 = arith.index_cast %parallel_loop3A_160 : i32 to index
          %parallel_loop3A_167 = tpu.vector_load %arg8[%parallel_loop3A_166] {strides = array<i32>} : memref<4096xf32, #tpu.memory_space<vmem>>, vector<16xf32>,
          tpu.vector_store %arg8[%parallel_loop3A_166], %parallel_loop3A_165 {strides = array<i32>} : memref<4096xf32, #tpu.memory_space<vmem>>, vector<16xf32>,
        } {sc.loop_unroll_factor = 12 : i64, sc.parallel_access}
        %dma_start3A_113 = arith.constant 4096 : i32
        %dma_start3A_114 = tpu.memref_slice %arg4[%add3A_99, %dma_start3A_113] : memref<1300x16384xf32, #tpu.memory_space<hbm>> -> memref<1x4096xf32, #tpu.memory_space<hbm>>
        %dma_start3A_115 = tpu.memref_squeeze %dma_start3A_114 : memref<1x4096xf32, #tpu.memory_space<hbm>> -> memref<4096xf32, #tpu.memory_space<hbm>>
        %dma_start3A_116 = arith.constant 4096 : i32
        %dma_start3A_117 = tpu.memref_slice %arg4[%add3A_99, %dma_start3A_116] : memref<1300x16384xf32, #tpu.memory_space<hbm>> -> memref<1x4096xf32, #tpu.memory_space<hbm>>
        %dma_start3A_118 = tpu.memref_squeeze %dma_start3A_117 : memref<1x4096xf32, #tpu.memory_space<hbm>> -> memref<4096xf32, #tpu.memory_space<hbm>>
        tpu.enqueue_dma source(%arg8 : memref<4096xf32, #tpu.memory_space<vmem>>) target(%dma_start3A_118 : memref<4096xf32, #tpu.memory_space<hbm>>) target_semaphore(%arg10 : memref<!tpu.dma_semaphore, #tpu.memory_space<semaphore_mem>>)
        %dma_wait3A = arith.constant 0 : i32
        %dma_wait3A_119 = tpu.memref_slice %arg4[%add3A_99, %dma_wait3A] : memref<1300x16384xf32, #tpu.memory_space<hbm>> -> memref<1x4096xf32, #tpu.memory_space<hbm>>
        %dma_wait3A_120 = tpu.memref_squeeze %dma_wait3A_119 : memref<1x4096xf32, #tpu.memory_space<hbm>> -> memref<4096xf32, #tpu.memory_space<hbm>>
        %dma_wait3A_121 = arith.constant 0 : i32
        %dma_wait3A_122 = tpu.memref_slice %arg4[%add3A_99, %dma_wait3A_121] : memref<1300x16384xf32, #tpu.memory_space<hbm>> -> memref<1x4096xf32, #tpu.memory_space<hbm>>
        %dma_wait3A_123 = tpu.memref_squeeze %dma_wait3A_122 : memref<1x4096xf32, #tpu.memory_space<hbm>> -> memref<4096xf32, #tpu.memory_space<hbm>>
        tpu.wait_dma2 semaphore(%arg9 : memref<!tpu.dma_semaphore, #tpu.memory_space<semaphore_mem>>) src(%arg7 : memref<4096xf32, #tpu.memory_space<vmem>>) dst(%dma_wait3A_123 : memref<4096xf32, #tpu.memory_space<hbm>>)
        %parallel_loop3A_124 = arith.constant 0 : i32
        %parallel_loop3A_125 = arith.constant 4096 : i32
        %parallel_loop3A_126 = arith.constant 16 : i32
        scf.for %parallel_loop3A_160 = %parallel_loop3A_124 to %parallel_loop3A_125 step %parallel_loop3A_126  : i32 {
          %parallel_loop3A_161 = arith.constant 8192 : i32
          %parallel_loop3A_162 = arith.addi %parallel_loop3A_161, %parallel_loop3A_160 : i32
          %parallel_loop3A_163 = arith.index_cast %parallel_loop3A_162 : i32 to index
          %parallel_loop3A_164 = tpu.vector_load %arg6[%parallel_loop3A_163] {strides = array<i32>} : memref<16384xi32, #tpu.memory_space<vmem>>, vector<16xi32>,
          %parallel_loop3A_165 = tpu.vector_load_idx %arg5[%parallel_loop3A_164] : memref<100000xf32, #tpu.memory_space<vmem>>[vector<16xi32>], vector<16xf32>,
          %parallel_loop3A_166 = arith.index_cast %parallel_loop3A_160 : i32 to index
          %parallel_loop3A_167 = tpu.vector_load %arg7[%parallel_loop3A_166] {strides = array<i32>} : memref<4096xf32, #tpu.memory_space<vmem>>, vector<16xf32>,
          tpu.vector_store %arg7[%parallel_loop3A_166], %parallel_loop3A_165 {strides = array<i32>} : memref<4096xf32, #tpu.memory_space<vmem>>, vector<16xf32>,
        } {sc.loop_unroll_factor = 12 : i64, sc.parallel_access}
        %dma_start3A_127 = arith.constant 8192 : i32
        %dma_start3A_128 = tpu.memref_slice %arg4[%add3A_99, %dma_start3A_127] : memref<1300x16384xf32, #tpu.memory_space<hbm>> -> memref<1x4096xf32, #tpu.memory_space<hbm>>
        %dma_start3A_129 = tpu.memref_squeeze %dma_start3A_128 : memref<1x4096xf32, #tpu.memory_space<hbm>> -> memref<4096xf32, #tpu.memory_space<hbm>>
        %dma_start3A_130 = arith.constant 8192 : i32
        %dma_start3A_131 = tpu.memref_slice %arg4[%add3A_99, %dma_start3A_130] : memref<1300x16384xf32, #tpu.memory_space<hbm>> -> memref<1x4096xf32, #tpu.memory_space<hbm>>
        %dma_start3A_132 = tpu.memref_squeeze %dma_start3A_131 : memref<1x4096xf32, #tpu.memory_space<hbm>> -> memref<4096xf32, #tpu.memory_space<hbm>>
        tpu.enqueue_dma source(%arg7 : memref<4096xf32, #tpu.memory_space<vmem>>) target(%dma_start3A_132 : memref<4096xf32, #tpu.memory_space<hbm>>) target_semaphore(%arg9 : memref<!tpu.dma_semaphore, #tpu.memory_space<semaphore_mem>>)
        %dma_wait3A_133 = arith.constant 4096 : i32
        %dma_wait3A_134 = tpu.memref_slice %arg4[%add3A_99, %dma_wait3A_133] : memref<1300x16384xf32, #tpu.memory_space<hbm>> -> memref<1x4096xf32, #tpu.memory_space<hbm>>
        %dma_wait3A_135 = tpu.memref_squeeze %dma_wait3A_134 : memref<1x4096xf32, #tpu.memory_space<hbm>> -> memref<4096xf32, #tpu.memory_space<hbm>>
        %dma_wait3A_136 = arith.constant 4096 : i32
        %dma_wait3A_137 = tpu.memref_slice %arg4[%add3A_99, %dma_wait3A_136] : memref<1300x16384xf32, #tpu.memory_space<hbm>> -> memref<1x4096xf32, #tpu.memory_space<hbm>>
        %dma_wait3A_138 = tpu.memref_squeeze %dma_wait3A_137 : memref<1x4096xf32, #tpu.memory_space<hbm>> -> memref<4096xf32, #tpu.memory_space<hbm>>
        tpu.wait_dma2 semaphore(%arg10 : memref<!tpu.dma_semaphore, #tpu.memory_space<semaphore_mem>>) src(%arg8 : memref<4096xf32, #tpu.memory_space<vmem>>) dst(%dma_wait3A_138 : memref<4096xf32, #tpu.memory_space<hbm>>)
        %parallel_loop3A_139 = arith.constant 0 : i32
        %parallel_loop3A_140 = arith.constant 4096 : i32
        %parallel_loop3A_141 = arith.constant 16 : i32
        scf.for %parallel_loop3A_160 = %parallel_loop3A_139 to %parallel_loop3A_140 step %parallel_loop3A_141  : i32 {
          %parallel_loop3A_161 = arith.constant 12288 : i32
          %parallel_loop3A_162 = arith.addi %parallel_loop3A_161, %parallel_loop3A_160 : i32
          %parallel_loop3A_163 = arith.index_cast %parallel_loop3A_162 : i32 to index
          %parallel_loop3A_164 = tpu.vector_load %arg6[%parallel_loop3A_163] {strides = array<i32>} : memref<16384xi32, #tpu.memory_space<vmem>>, vector<16xi32>,
          %parallel_loop3A_165 = tpu.vector_load_idx %arg5[%parallel_loop3A_164] : memref<100000xf32, #tpu.memory_space<vmem>>[vector<16xi32>], vector<16xf32>,
          %parallel_loop3A_166 = arith.index_cast %parallel_loop3A_160 : i32 to index
          %parallel_loop3A_167 = tpu.vector_load %arg8[%parallel_loop3A_166] {strides = array<i32>} : memref<4096xf32, #tpu.memory_space<vmem>>, vector<16xf32>,
          tpu.vector_store %arg8[%parallel_loop3A_166], %parallel_loop3A_165 {strides = array<i32>} : memref<4096xf32, #tpu.memory_space<vmem>>, vector<16xf32>,
        } {sc.loop_unroll_factor = 12 : i64, sc.parallel_access}
        %dma_start3A_142 = arith.constant 12288 : i32
        %dma_start3A_143 = tpu.memref_slice %arg4[%add3A_99, %dma_start3A_142] : memref<1300x16384xf32, #tpu.memory_space<hbm>> -> memref<1x4096xf32, #tpu.memory_space<hbm>>
        %dma_start3A_144 = tpu.memref_squeeze %dma_start3A_143 : memref<1x4096xf32, #tpu.memory_space<hbm>> -> memref<4096xf32, #tpu.memory_space<hbm>>
        %dma_start3A_145 = arith.constant 12288 : i32
        %dma_start3A_146 = tpu.memref_slice %arg4[%add3A_99, %dma_start3A_145] : memref<1300x16384xf32, #tpu.memory_space<hbm>> -> memref<1x4096xf32, #tpu.memory_space<hbm>>
        %dma_start3A_147 = tpu.memref_squeeze %dma_start3A_146 : memref<1x4096xf32, #tpu.memory_space<hbm>> -> memref<4096xf32, #tpu.memory_space<hbm>>
        tpu.enqueue_dma source(%arg8 : memref<4096xf32, #tpu.memory_space<vmem>>) target(%dma_start3A_147 : memref<4096xf32, #tpu.memory_space<hbm>>) target_semaphore(%arg10 : memref<!tpu.dma_semaphore, #tpu.memory_space<semaphore_mem>>)
        %dma_wait3A_148 = arith.constant 8192 : i32
        %dma_wait3A_149 = tpu.memref_slice %arg4[%add3A_99, %dma_wait3A_148] : memref<1300x16384xf32, #tpu.memory_space<hbm>> -> memref<1x4096xf32, #tpu.memory_space<hbm>>
        %dma_wait3A_150 = tpu.memref_squeeze %dma_wait3A_149 : memref<1x4096xf32, #tpu.memory_space<hbm>> -> memref<4096xf32, #tpu.memory_space<hbm>>
        %dma_wait3A_151 = arith.constant 8192 : i32
        %dma_wait3A_152 = tpu.memref_slice %arg4[%add3A_99, %dma_wait3A_151] : memref<1300x16384xf32, #tpu.memory_space<hbm>> -> memref<1x4096xf32, #tpu.memory_space<hbm>>
        %dma_wait3A_153 = tpu.memref_squeeze %dma_wait3A_152 : memref<1x4096xf32, #tpu.memory_space<hbm>> -> memref<4096xf32, #tpu.memory_space<hbm>>
        tpu.wait_dma2 semaphore(%arg9 : memref<!tpu.dma_semaphore, #tpu.memory_space<semaphore_mem>>) src(%arg7 : memref<4096xf32, #tpu.memory_space<vmem>>) dst(%dma_wait3A_153 : memref<4096xf32, #tpu.memory_space<hbm>>)
        %dma_wait3A_154 = arith.constant 12288 : i32
        %dma_wait3A_155 = tpu.memref_slice %arg4[%add3A_99, %dma_wait3A_154] : memref<1300x16384xf32, #tpu.memory_space<hbm>> -> memref<1x4096xf32, #tpu.memory_space<hbm>>
        %dma_wait3A_156 = tpu.memref_squeeze %dma_wait3A_155 : memref<1x4096xf32, #tpu.memory_space<hbm>> -> memref<4096xf32, #tpu.memory_space<hbm>>
        %dma_wait3A_157 = arith.constant 12288 : i32
        %dma_wait3A_158 = tpu.memref_slice %arg4[%add3A_99, %dma_wait3A_157] : memref<1300x16384xf32, #tpu.memory_space<hbm>> -> memref<1x4096xf32, #tpu.memory_space<hbm>>
        %dma_wait3A_159 = tpu.memref_squeeze %dma_wait3A_158 : memref<1x4096xf32, #tpu.memory_space<hbm>> -> memref<4096xf32, #tpu.memory_space<hbm>>
        tpu.wait_dma2 semaphore(%arg10 : memref<!tpu.dma_semaphore, #tpu.memory_space<semaphore_mem>>) src(%arg8 : memref<4096xf32, #tpu.memory_space<vmem>>) dst(%dma_wait3A_159 : memref<4096xf32, #tpu.memory_space<hbm>>)
      }
    }
    return
  }
}

module attributes {stable_mosaic.version = 14 : i64} {
  func.func @_mlp_body(%arg0: i32, %arg1: memref<1300x2048xf32, #tpu.memory_space<vmem>>, %arg2: memref<1300x200xf32, #tpu.memory_space<vmem>>, %arg3: memref<200x1xf32, #tpu.memory_space<vmem>>, %arg4: memref<200x200xf32, #tpu.memory_space<vmem>>, %arg5: memref<200x1xf32, #tpu.memory_space<vmem>>, %arg6: memref<200x200xf32, #tpu.memory_space<vmem>>, %arg7: memref<200x1xf32, #tpu.memory_space<vmem>>, %arg8: memref<200x200xf32, #tpu.memory_space<vmem>>, %arg9: memref<200x1xf32, #tpu.memory_space<vmem>>, %arg10: memref<200x2xf32, #tpu.memory_space<vmem>>, %arg11: memref<2x1xf32, #tpu.memory_space<vmem>>, %arg12: memref<2x2048xf32, #tpu.memory_space<vmem>>) attributes {dimension_semantics = [#tpu.dimension_semantics<arbitrary>], iteration_bounds = array<i64: 8>, scalar_prefetch = 0 : i64, scratch_operands = 0 : i64, tpu.core_type = #tpu.core_type<tc>, window_params = [{transform_indices = @transform_0, window_bounds = array<i64: 1300, 2048>}, {pipeline_mode = #tpu.pipeline_mode<synchronous>, transform_indices = @transform_1, window_bounds = array<i64: 1300, 200>}, {pipeline_mode = #tpu.pipeline_mode<synchronous>, transform_indices = @transform_2, window_bounds = array<i64: 200, 1>}, {pipeline_mode = #tpu.pipeline_mode<synchronous>, transform_indices = @transform_3, window_bounds = array<i64: 200, 200>}, {pipeline_mode = #tpu.pipeline_mode<synchronous>, transform_indices = @transform_4, window_bounds = array<i64: 200, 1>}, {pipeline_mode = #tpu.pipeline_mode<synchronous>, transform_indices = @transform_5, window_bounds = array<i64: 200, 200>}, {pipeline_mode = #tpu.pipeline_mode<synchronous>, transform_indices = @transform_6, window_bounds = array<i64: 200, 1>}, {pipeline_mode = #tpu.pipeline_mode<synchronous>, transform_indices = @transform_7, window_bounds = array<i64: 200, 200>}, {pipeline_mode = #tpu.pipeline_mode<synchronous>, transform_indices = @transform_8, window_bounds = array<i64: 200, 1>}, {pipeline_mode = #tpu.pipeline_mode<synchronous>, transform_indices = @transform_9, window_bounds = array<i64: 200, 2>}, {pipeline_mode = #tpu.pipeline_mode<synchronous>, transform_indices = @transform_10, window_bounds = array<i64: 2, 1>}, {transform_indices = @transform_11, window_bounds = array<i64: 2, 2048>}]} {
    %get3A = arith.constant 0 : index
    %get3A_0 = arith.constant 0 : index
    %get3A_1 = vector.load %arg1[%get3A, %get3A_0] : memref<1300x2048xf32, #tpu.memory_space<vmem>>, vector<1300x2048xf32>
    %get3A_2 = arith.constant 0 : index
    %get3A_3 = arith.constant 0 : index
    %get3A_4 = vector.load %arg2[%get3A_2, %get3A_3] : memref<1300x200xf32, #tpu.memory_space<vmem>>, vector<1300x200xf32>
    %dot_general3A = arith.constant dense<0.000000e+00> : vector<200x2048xf32>
    %dot_general3A_5 = tpu.matmul %get3A_4, %get3A_1, %dot_general3A {dimension_numbers = #tpu.dot_dimension_numbers<[0], [0], [1], [1], [0, 1, 1, 1], [], []>, transpose_lhs_hint = false} : vector<1300x200xf32>, vector<1300x2048xf32>, vector<200x2048xf32> -> vector<200x2048xf32>
    %get3A_6 = arith.constant 0 : index
    %get3A_7 = arith.constant 0 : index
    %get3A_8 = vector.load %arg3[%get3A_6, %get3A_7] : memref<200x1xf32, #tpu.memory_space<vmem>>, vector<200x1xf32>
    %add3A = vector.broadcast %get3A_8 : vector<200x1xf32> to vector<200x2048xf32>
    %add3A_9 = arith.addf %dot_general3A_5, %add3A : vector<200x2048xf32>
    %neg3A = arith.constant 0.000000e+00 : f32
    %neg3A_10 = vector.broadcast %neg3A : f32 to vector<200x2048xf32>
    %neg3A_11 = arith.subf %neg3A_10, %add3A_9 : vector<200x2048xf32>
    %exp3A = math.exp %neg3A_11 : vector<200x2048xf32>
    %add3A_12 = arith.constant 1.000000e+00 : f32
    %add3A_13 = vector.broadcast %add3A_12 : f32 to vector<200x2048xf32>
    %add3A_14 = arith.addf %add3A_13, %exp3A : vector<200x2048xf32>
    %div3A = arith.constant 1.000000e+00 : f32
    %div3A_15 = vector.broadcast %div3A : f32 to vector<200x2048xf32>
    %div3A_16 = arith.divf %div3A_15, %add3A_14 : vector<200x2048xf32>
    %get3A_17 = arith.constant 0 : index
    %get3A_18 = arith.constant 0 : index
    %get3A_19 = vector.load %arg4[%get3A_17, %get3A_18] : memref<200x200xf32, #tpu.memory_space<vmem>>, vector<200x200xf32>
    %dot_general3A_20 = arith.constant dense<0.000000e+00> : vector<200x2048xf32>
    %dot_general3A_21 = tpu.matmul %get3A_19, %div3A_16, %dot_general3A_20 {dimension_numbers = #tpu.dot_dimension_numbers<[0], [0], [1], [1], [0, 1, 1, 1], [], []>, transpose_lhs_hint = false} : vector<200x200xf32>, vector<200x2048xf32>, vector<200x2048xf32> -> vector<200x2048xf32>
    %get3A_22 = arith.constant 0 : index
    %get3A_23 = arith.constant 0 : index
    %get3A_24 = vector.load %arg5[%get3A_22, %get3A_23] : memref<200x1xf32, #tpu.memory_space<vmem>>, vector<200x1xf32>
    %add3A_25 = vector.broadcast %get3A_24 : vector<200x1xf32> to vector<200x2048xf32>
    %add3A_26 = arith.addf %dot_general3A_21, %add3A_25 : vector<200x2048xf32>
    %neg3A_27 = arith.constant 0.000000e+00 : f32
    %neg3A_28 = vector.broadcast %neg3A_27 : f32 to vector<200x2048xf32>
    %neg3A_29 = arith.subf %neg3A_28, %add3A_26 : vector<200x2048xf32>
    %exp3A_30 = math.exp %neg3A_29 : vector<200x2048xf32>
    %add3A_31 = arith.constant 1.000000e+00 : f32
    %add3A_32 = vector.broadcast %add3A_31 : f32 to vector<200x2048xf32>
    %add3A_33 = arith.addf %add3A_32, %exp3A_30 : vector<200x2048xf32>
    %div3A_34 = arith.constant 1.000000e+00 : f32
    %div3A_35 = vector.broadcast %div3A_34 : f32 to vector<200x2048xf32>
    %div3A_36 = arith.divf %div3A_35, %add3A_33 : vector<200x2048xf32>
    %get3A_37 = arith.constant 0 : index
    %get3A_38 = arith.constant 0 : index
    %get3A_39 = vector.load %arg6[%get3A_37, %get3A_38] : memref<200x200xf32, #tpu.memory_space<vmem>>, vector<200x200xf32>
    %dot_general3A_40 = arith.constant dense<0.000000e+00> : vector<200x2048xf32>
    %dot_general3A_41 = tpu.matmul %get3A_39, %div3A_36, %dot_general3A_40 {dimension_numbers = #tpu.dot_dimension_numbers<[0], [0], [1], [1], [0, 1, 1, 1], [], []>, transpose_lhs_hint = false} : vector<200x200xf32>, vector<200x2048xf32>, vector<200x2048xf32> -> vector<200x2048xf32>
    %get3A_42 = arith.constant 0 : index
    %get3A_43 = arith.constant 0 : index
    %get3A_44 = vector.load %arg7[%get3A_42, %get3A_43] : memref<200x1xf32, #tpu.memory_space<vmem>>, vector<200x1xf32>
    %add3A_45 = vector.broadcast %get3A_44 : vector<200x1xf32> to vector<200x2048xf32>
    %add3A_46 = arith.addf %dot_general3A_41, %add3A_45 : vector<200x2048xf32>
    %neg3A_47 = arith.constant 0.000000e+00 : f32
    %neg3A_48 = vector.broadcast %neg3A_47 : f32 to vector<200x2048xf32>
    %neg3A_49 = arith.subf %neg3A_48, %add3A_46 : vector<200x2048xf32>
    %exp3A_50 = math.exp %neg3A_49 : vector<200x2048xf32>
    %add3A_51 = arith.constant 1.000000e+00 : f32
    %add3A_52 = vector.broadcast %add3A_51 : f32 to vector<200x2048xf32>
    %add3A_53 = arith.addf %add3A_52, %exp3A_50 : vector<200x2048xf32>
    %div3A_54 = arith.constant 1.000000e+00 : f32
    %div3A_55 = vector.broadcast %div3A_54 : f32 to vector<200x2048xf32>
    %div3A_56 = arith.divf %div3A_55, %add3A_53 : vector<200x2048xf32>
    %get3A_57 = arith.constant 0 : index
    %get3A_58 = arith.constant 0 : index
    %get3A_59 = vector.load %arg8[%get3A_57, %get3A_58] : memref<200x200xf32, #tpu.memory_space<vmem>>, vector<200x200xf32>
    %dot_general3A_60 = arith.constant dense<0.000000e+00> : vector<200x2048xf32>
    %dot_general3A_61 = tpu.matmul %get3A_59, %div3A_56, %dot_general3A_60 {dimension_numbers = #tpu.dot_dimension_numbers<[0], [0], [1], [1], [0, 1, 1, 1], [], []>, transpose_lhs_hint = false} : vector<200x200xf32>, vector<200x2048xf32>, vector<200x2048xf32> -> vector<200x2048xf32>
    %get3A_62 = arith.constant 0 : index
    %get3A_63 = arith.constant 0 : index
    %get3A_64 = vector.load %arg9[%get3A_62, %get3A_63] : memref<200x1xf32, #tpu.memory_space<vmem>>, vector<200x1xf32>
    %add3A_65 = vector.broadcast %get3A_64 : vector<200x1xf32> to vector<200x2048xf32>
    %add3A_66 = arith.addf %dot_general3A_61, %add3A_65 : vector<200x2048xf32>
    %neg3A_67 = arith.constant 0.000000e+00 : f32
    %neg3A_68 = vector.broadcast %neg3A_67 : f32 to vector<200x2048xf32>
    %neg3A_69 = arith.subf %neg3A_68, %add3A_66 : vector<200x2048xf32>
    %exp3A_70 = math.exp %neg3A_69 : vector<200x2048xf32>
    %add3A_71 = arith.constant 1.000000e+00 : f32
    %add3A_72 = vector.broadcast %add3A_71 : f32 to vector<200x2048xf32>
    %add3A_73 = arith.addf %add3A_72, %exp3A_70 : vector<200x2048xf32>
    %div3A_74 = arith.constant 1.000000e+00 : f32
    %div3A_75 = vector.broadcast %div3A_74 : f32 to vector<200x2048xf32>
    %div3A_76 = arith.divf %div3A_75, %add3A_73 : vector<200x2048xf32>
    %get3A_77 = arith.constant 0 : index
    %get3A_78 = arith.constant 0 : index
    %get3A_79 = vector.load %arg10[%get3A_77, %get3A_78] : memref<200x2xf32, #tpu.memory_space<vmem>>, vector<200x2xf32>
    %dot_general3A_80 = arith.constant dense<0.000000e+00> : vector<2x2048xf32>
    %dot_general3A_81 = tpu.matmul %get3A_79, %div3A_76, %dot_general3A_80 {dimension_numbers = #tpu.dot_dimension_numbers<[0], [0], [1], [1], [0, 1, 1, 1], [], []>, transpose_lhs_hint = false} : vector<200x2xf32>, vector<200x2048xf32>, vector<2x2048xf32> -> vector<2x2048xf32>
    %get3A_82 = arith.constant 0 : index
    %get3A_83 = arith.constant 0 : index
    %get3A_84 = vector.load %arg11[%get3A_82, %get3A_83] : memref<2x1xf32, #tpu.memory_space<vmem>>, vector<2x1xf32>
    %add3A_85 = vector.broadcast %get3A_84 : vector<2x1xf32> to vector<2x2048xf32>
    %add3A_86 = arith.addf %dot_general3A_81, %add3A_85 : vector<2x2048xf32>
    %reduce_max3A = arith.constant dense<0xFF800000> : vector<2048xf32>
    %reduce_max3A_87 = vector.multi_reduction <maximumf>, %add3A_86, %reduce_max3A [0] : vector<2x2048xf32> to vector<2048xf32>
    %broadcast_in_dim3A = vector.shape_cast %reduce_max3A_87 : vector<2048xf32> to vector<1x2048xf32>
    %sub3A = vector.broadcast %broadcast_in_dim3A : vector<1x2048xf32> to vector<2x2048xf32>
    %sub3A_88 = arith.subf %add3A_86, %sub3A : vector<2x2048xf32>
    %exp3A_89 = math.exp %sub3A_88 : vector<2x2048xf32>
    %reduce_sum3A = arith.constant dense<0.000000e+00> : vector<2048xf32>
    %reduce_sum3A_90 = vector.multi_reduction <add>, %exp3A_89, %reduce_sum3A [0] : vector<2x2048xf32> to vector<2048xf32>
    %broadcast_in_dim3A_91 = vector.shape_cast %reduce_sum3A_90 : vector<2048xf32> to vector<1x2048xf32>
    %div3A_92 = vector.broadcast %broadcast_in_dim3A_91 : vector<1x2048xf32> to vector<2x2048xf32>
    %div3A_93 = arith.divf %exp3A_89, %div3A_92 : vector<2x2048xf32>
    %swap3A = arith.constant 0 : index
    %swap3A_94 = arith.constant 0 : index
    %swap3A_95 = vector.load %arg12[%swap3A, %swap3A_94] : memref<2x2048xf32, #tpu.memory_space<vmem>>, vector<2x2048xf32>
    tpu.vector_store %arg12[%swap3A, %swap3A_94], %div3A_93 {strides = array<i32>} : memref<2x2048xf32, #tpu.memory_space<vmem>>, vector<2x2048xf32>,
    return
  }
  func.func @transform_0(%arg0: i32) -> (i32, i32) {
    %c0_i32 = arith.constant 0 : i32
    %c0_i32_0 = arith.constant 0 : i32
    return %c0_i32, %arg0 : i32, i32
  }
  func.func @transform_1(%arg0: i32) -> (i32, i32) {
    %c0_i32 = arith.constant 0 : i32
    %c0_i32_0 = arith.constant 0 : i32
    %c0_i32_1 = arith.constant 0 : i32
    return %c0_i32, %c0_i32_0 : i32, i32
  }
  func.func @transform_2(%arg0: i32) -> (i32, i32) {
    %c0_i32 = arith.constant 0 : i32
    %c0_i32_0 = arith.constant 0 : i32
    %c0_i32_1 = arith.constant 0 : i32
    return %c0_i32, %c0_i32_0 : i32, i32
  }
  func.func @transform_3(%arg0: i32) -> (i32, i32) {
    %c0_i32 = arith.constant 0 : i32
    %c0_i32_0 = arith.constant 0 : i32
    %c0_i32_1 = arith.constant 0 : i32
    return %c0_i32, %c0_i32_0 : i32, i32
  }
  func.func @transform_4(%arg0: i32) -> (i32, i32) {
    %c0_i32 = arith.constant 0 : i32
    %c0_i32_0 = arith.constant 0 : i32
    %c0_i32_1 = arith.constant 0 : i32
    return %c0_i32, %c0_i32_0 : i32, i32
  }
  func.func @transform_5(%arg0: i32) -> (i32, i32) {
    %c0_i32 = arith.constant 0 : i32
    %c0_i32_0 = arith.constant 0 : i32
    %c0_i32_1 = arith.constant 0 : i32
    return %c0_i32, %c0_i32_0 : i32, i32
  }
  func.func @transform_6(%arg0: i32) -> (i32, i32) {
    %c0_i32 = arith.constant 0 : i32
    %c0_i32_0 = arith.constant 0 : i32
    %c0_i32_1 = arith.constant 0 : i32
    return %c0_i32, %c0_i32_0 : i32, i32
  }
  func.func @transform_7(%arg0: i32) -> (i32, i32) {
    %c0_i32 = arith.constant 0 : i32
    %c0_i32_0 = arith.constant 0 : i32
    %c0_i32_1 = arith.constant 0 : i32
    return %c0_i32, %c0_i32_0 : i32, i32
  }
  func.func @transform_8(%arg0: i32) -> (i32, i32) {
    %c0_i32 = arith.constant 0 : i32
    %c0_i32_0 = arith.constant 0 : i32
    %c0_i32_1 = arith.constant 0 : i32
    return %c0_i32, %c0_i32_0 : i32, i32
  }
  func.func @transform_9(%arg0: i32) -> (i32, i32) {
    %c0_i32 = arith.constant 0 : i32
    %c0_i32_0 = arith.constant 0 : i32
    %c0_i32_1 = arith.constant 0 : i32
    return %c0_i32, %c0_i32_0 : i32, i32
  }
  func.func @transform_10(%arg0: i32) -> (i32, i32) {
    %c0_i32 = arith.constant 0 : i32
    %c0_i32_0 = arith.constant 0 : i32
    %c0_i32_1 = arith.constant 0 : i32
    return %c0_i32, %c0_i32_0 : i32, i32
  }
  func.func @transform_11(%arg0: i32) -> (i32, i32) {
    %c0_i32 = arith.constant 0 : i32
    %c0_i32_0 = arith.constant 0 : i32
    return %c0_i32, %arg0 : i32, i32
  }
}

</mosaic_0001>

<sc_bundles>
// kernel: kernel.4.cloned.1.call-start
scs
__scs_entry_jumppad:
0x0: {  	(pc) =	sbr.rel $0x88, $3  }
0x1: {  	(tag) =	ssettag $0x0;
	lr =	simm.s32 $0x1  }
0x2: {  	[smem:$0x3F95] =	sst lr;
	_ =	strace $0xD0000000  }
0x3: {  	_ = 	snop  }
0x4: {  	_ = 	snop  }
0x5: {  	_ = 	snop  }
0x6: {  	_ = 	snop  }
0x7: {  	_ = 	snop  }
__scs_overlays_trampoline_lowered:
0x8: {  	[smem:$0x3FA4] =	sst s0  }
0x9: {  	[smem:$0x3FA5] =	sst s1  }
0xa: {  	[smem:$0x3FA6] =	sst s2  }
0xb: {  	[smem:$0x3FA7] =	sst s3  }
0xc: {  	[smem:$0x3FA8] =	sst s4  }
0xd: {  	[smem:$0x3FA9] =	sst s5  }
0xe: {  	[smem:$0x3FAA] =	sst s6  }
0xf: {  	[smem:$0x3FAB] =	sst s7  }
0x10: {  	[smem:$0x3FAC] =	sst s8  }
0x11: {  	[smem:$0x3FAD] =	sst s9;
	s0 =	simm.s32 @!p0 $0x0  }
0x12: {  	s1 =	sld [smem:$0x3F93];
	s0 =	simm.s32 @p0 $0x1  }
0x13: {  	[smem:$0x3FAE] =	sst s0;
	s0 =	simm.s32 @!p1 $0x0  }
0x14: {  	s2 =	sld [smem:$0x3F92];
	s0 =	simm.s32 @p1 $0x1  }
0x15: {  	[smem:$0x3FAF] =	sst s0;
	s0 =	simm.s32 @!p2 $0x0  }
0x16: {  	s3 =	sld [smem:$0x3FDB];
	s0 =	simm.s32 @p2 $0x1  }
0x17: {  	s4 =	simm.s32 $0x1BF5;
	[smem:$0x3FB1] =	sst s0  }
0x18: {  	s0 =	sld [smem:$0x3F94];
	_ =	swait.ge [sflag:s4], $0x0  }
0x19: {  	s7 =	sld [smem:$0x3F95]  }
0x1a: {  	s8 =	sadd.s32 $0xFFFFE003, lr  }
0x1b: {  	s9 =	sadd.s32 $0xFFFFFEF7, lr;
	s5 =	simm.s32 $0xFFFFFFFF;
	p2 =	slt.u32 s8, $0xFFFFF086  }
0x1c: {  	p1 =	slt.u32 s9, $0xF7A;
	s5 =	simm.s32 @!p2 $0x0  }
0x1d: {  	s5 =	simm.s32 @p1 $0x1;
	p0 =	seq.s32 s7, s2  }
0x1e: {  	s7 =	smul.u32 @!p0 $0xF7A, s2;
	p2 =	seq.s32 @!p0 s5, $0x0  }
0x1f: {  	s9 =	smul.u32 $0xF7A, s1;
	s8 =	simm.s32 @!p0 $0x1BF5;
	p2 =	por !p2, p0  }
0x20: {  	[sflag:s8] =	ssyncset.s32 @!p0 $0xFFFFF086;
	s6 =	sadd.s32 @!p0 s3, s7;
	s7 =	simm.s32 @!p0 $0x108  }
0x21: {  	s3 =	sadd.s32 s3, s9;
	s6 =	sadd.s32 @!p0 $0x88, s6;
	s7 =	simm.s32 @p2 $0x1082  }
0x22: {  	[simem:s7], [sflag:s8] =	dma.local @!p0 [hbm:s6], $0xF7A  }
0x23: {  	s9 =	sor.u32 $0xD0000000, s2;
	s6 =	simm.s32 $0x108;
	_ =	swait.ge @!p0 [sflag:s8], $0x0  }
0x24: {  	s3 =	sadd.s32 $0x88, s3;
	s6 =	simm.s32 @!p1 $0x1082;
	[sflag:s4] =	ssyncset.s32 $0xFFFFF086  }
0x25: {  	[simem:s6], [sflag:s4] =	dma.local [hbm:s3], $0xF7A  }
0x26: {  	[smem:$0x3F95] =	sst s1;
	(tag) =	ssettag s2;
	_ =	strace s9  }
0x27: {  	s1 =	sld [smem:$0x3FA5]  }
0x28: {  	s2 =	sld [smem:$0x3FA6]  }
0x29: {  	s4 =	sld [smem:$0x3FA8]  }
0x2a: {  	p0 =	seq.s32 s5, $0x0;
	s5 =	sld [smem:$0x3FA9]  }
0x2b: {  	s6 =	sld [smem:$0x3FAA]  }
0x2c: {  	s7 =	sld [smem:$0x3FAB]  }
0x2d: {  	s3 =	simm.s32 $0x108;
	s8 =	sld [smem:$0x3FAC]  }
0x2e: {  	s3 =	simm.s32 @!p0 $0x1082;
	s9 =	sld [smem:$0x3FAD]  }
0x2f: {  	lr =	sadd.s32 s0, s3;
	s0 =	sld [smem:$0x3FA4]  }
0x30: {  	s3 =	sld [smem:$0x3FA7]  }
0x31: {  	[smem:$0x3FB0] =	sst s10  }
0x32: {  	s10 =	sld [smem:$0x3FAE];
	_ =	sdelay $0x3  }
0x33: {  	p0 =	seq.s32 s10, $0x1;
	s10 =	sld [smem:$0x3FB0];
	_ =	sdelay $0x3  }
0x34: {  	[smem:$0x3FB0] =	sst s10  }
0x35: {  	s10 =	sld [smem:$0x3FAF];
	_ =	sdelay $0x3  }
0x36: {  	p1 =	seq.s32 s10, $0x1;
	s10 =	sld [smem:$0x3FB0];
	_ =	sdelay $0x3  }
0x37: {  	[smem:$0x3FB0] =	sst s10  }
0x38: {  	s10 =	sld [smem:$0x3FB1]  }
0x39: {  	_ = 	snop;
	(pc) =	sbr.ind lr, $3  }
0x3a: {  	_ = 	snop  }
0x3b: {  	_ = 	snop  }
0x3c: {  	p2 =	seq.s32 s10, $0x1;
	s10 =	sld [smem:$0x3FB0]  }
0x3d: {  	_ =	shalt  }
0x3e: {  	_ =	shalt  }
0x3f: {  	_ =	shalt  }
0x40: {  	_ =	shalt  }
0x41: {  	_ =	shalt  }
0x42: {  	_ =	shalt  }
0x43: {  	_ =	shalt  }
0x44: {  	_ =	shalt  }
0x45: {  	_ =	shalt  }
0x46: {  	_ =	shalt  }
0x47: {  	_ =	shalt  }
0x48: {  	_ =	shalt  }
0x49: {  	_ =	shalt  }
0x4a: {  	_ =	shalt  }
0x4b: {  	_ =	shalt  }
0x4c: {  	_ =	shalt  }
0x4d: {  	_ =	shalt  }
0x4e: {  	_ =	shalt  }
0x4f: {  	_ =	shalt  }
0x50: {  	_ =	shalt  }
0x51: {  	_ =	shalt  }
0x52: {  	_ =	shalt  }
0x53: {  	_ =	shalt  }
0x54: {  	_ =	shalt  }
0x55: {  	_ =	shalt  }
0x56: {  	_ =	shalt  }
0x57: {  	_ =	shalt  }
0x58: {  	_ =	shalt  }
0x59: {  	_ =	shalt  }
0x5a: {  	_ =	shalt  }
0x5b: {  	_ =	shalt  }
0x5c: {  	_ =	shalt  }
0x5d: {  	_ =	shalt  }
0x5e: {  	_ =	shalt  }
0x5f: {  	_ =	shalt  }
0x60: {  	_ =	shalt  }
0x61: {  	_ =	shalt  }
0x62: {  	_ =	shalt  }
0x63: {  	_ =	shalt  }
0x64: {  	_ =	shalt  }
0x65: {  	_ =	shalt  }
0x66: {  	_ =	shalt  }
0x67: {  	_ =	shalt  }
0x68: {  	_ =	shalt  }
0x69: {  	_ =	shalt  }
0x6a: {  	_ =	shalt  }
0x6b: {  	_ =	shalt  }
0x6c: {  	_ =	shalt  }
0x6d: {  	_ =	shalt  }
0x6e: {  	_ =	shalt  }
0x6f: {  	_ =	shalt  }
0x70: {  	_ =	shalt  }
0x71: {  	_ =	shalt  }
0x72: {  	_ =	shalt  }
0x73: {  	_ =	shalt  }
0x74: {  	_ =	shalt  }
0x75: {  	_ =	shalt  }
0x76: {  	_ =	shalt  }
0x77: {  	_ =	shalt  }
0x78: {  	_ =	shalt  }
0x79: {  	_ =	shalt  }
0x7a: {  	_ =	shalt  }
0x7b: {  	_ =	shalt  }
0x7c: {  	_ =	shalt  }
0x7d: {  	_ =	shalt  }
0x7e: {  	_ =	shalt  }
0x7f: {  	_ =	shalt  }
0x80: {  	_ =	shalt  }
0x81: {  	_ =	shalt  }
0x82: {  	_ =	shalt  }
0x83: {  	_ =	shalt  }
0x84: {  	_ =	shalt  }
0x85: {  	_ =	shalt  }
0x86: {  	_ =	shalt  }
0x87: {  	_ =	shalt  }
.Lfunc_end0:
.L_simem_size_0:
called_computation_lowered:
.L_overlay_start_0:
0x88: {  	s2 =	sld [smem:$0x3FD9]  }
0x89: {  	s3 =	sld [smem:$0x3FFE];
	_ =	sdelay $0x1  }
0x8a: {  	s1 =	srdreg.scid  }
0x8b: {  	s0 =	sand.u32 $0x1, s1  }
0x8c: {  	s17 =	sshll.u32 s0, $0xA;
	s2 =	sadd.s32 s3, s2  }
0x8d: {  	s2 =	sadd.s32 s2, s17  }
0x8e: {  	[smem:$0x3FBC] =	sst s2  }
0x8f: {  	_ = 	snop  }
0x90: {  	s2 =	sld [smem:$0x3FC9]  }
0x91: {  	s18 =	sld [smem:$0x3FC8];
	(tm) =	ssettm $0x1  }
0x92: {  	s4 =	sld [smem:$0x3FFB];
	_ =	sdelay $0x3  }
0x93: {  	_ =	strace s4  }
0x94: {  	s4 =	sld [smem:$0x3FFC];
	_ =	sdelay $0x3  }
0x95: {  	_ =	strace s4  }
0x96: {  	s4 =	sld [smem:$0x3FFD];
	_ =	sdelay $0x3  }
0x97: {  	_ =	strace s4  }
0x98: {  	_ =	strace $0x8FFFFFFF  }
0x99: {  	s19 =	sld [smem:$0x3FDB];
	_ =	sdelay $0x1  }
0x9a: {  	s5 =	simm.s32 $_scs_section_size  }
0x9b: {  	s6 =	simm.s32 $_size__tile_overlayer_lowered;
	s7 =	simm.s32 $_tile_overlayer_lowered  }
0x9c: {  	s22 =	simm.s32 $0x1BFF;
	s21 =	sshll.u32 s7, $0x1;
	s4 =	sadd.s32 s5, s19  }
0x9d: {  	s8 =	simm.s32 $0x0;
	s20 =	sshll.u32 s6, $0x1;
	s6 =	sadd.s32 s21, s4  }
0x9e: {  	[timem:s8], [sflag:s22] =	dma.local [hbm:s6], s20  }
0x9f: {  	_ =	swait.ge [sflag:s22], s20  }
0xa0: {  	s5 =	ssub.s32 $0x0, s20;
	[sflag:s22] =	ssyncset.done $0x0  }
0xa1: {  	[sflag:s22] =	ssyncadd.s32 s5;
	_ =	sdelay $0x1  }
0xa2: {  	s23 =	simm.s32 $0x1B8B  }
0xa3: {  	_ =	swait.ge [sflag:s23], $0x1  }
0xa4: {  	[sflag:s23] =	ssyncset.done $0x0  }
0xa5: {  	s25 =	simm.s32 $0x1B8E;
	s24 =	sld [smem:$0x3FFE];
	[sflag:s23] =	ssyncadd.s32 $0xFFFFFFFF  }
0xa6: {  	s26 =	simm.s32 $execute0_lowered;
	[smem:$0x3FD2] =	sst s25  }
0xa7: {  	s6 =	sshll.u32 s26, $0x1;
	_ =	strace $0x80000046;
	[dreg:$0x1] =	wrdreg $0xFFFFFFFF  }
0xa8: {  	s28 =	simm.s32 $_size_execute0_lowered;
	s4 =	sadd.s32 s4, s6;
	[dreg:$0x0] =	wrdreg $0x0  }
0xa9: {  	s6 =	sshll.u32 s28, $0x1;
	[dreg:$0x2] =	wrdreg s4  }
0xaa: {  	[dreg:$0x3] =	wrdreg s6  }
0xab: {  	[dreg:$0x4] =	wrdreg $0xC0  }
0xac: {  	_ =	task [dreg:s8], $0x5FFFF  }
0xad: {  	[dreg:$0x1] =	wrdreg $0xFFFFFFFF  }
0xae: {  	[dreg:$0x0] =	wrdreg $0x60  }
0xaf: {  	[dreg:$0x2] =	wrdreg s18  }
0xb0: {  	[dreg:$0x3] =	wrdreg s2  }
0xb1: {  	[dreg:$0x4] =	wrdreg s24  }
0xb2: {  	[dreg:$0x5] =	wrdreg $0x9  }
0xb3: {  	_ =	task.clear_ibuf [dreg:s8], $0x6FFFF;
	_ =	strace $0x90000046  }
0xb4: {  	s29 =	simm.s32 $0x9;
	_ =	strace $0x80000048  }
0xb5: {  	_ =	swait.ge [sflag:s29], $0x1  }
0xb6: {  	[sflag:s29] =	ssyncadd.s32 $0xFFFFFFFF  }
0xb7: {  	_ =	strace $0x90000048  }
0xb8: {  	_ =	sfence  }
0xb9: {  	s30 =	sld [smem:$0x0];
	_ =	sdelay $0x2  }
0xba: {  	s31 =	sshll.u32 s1, $0xD;
	s1 =	sshrl.u32 s1, $0x2  }
0xbb: {  	s3 =	sand.u32 $0x4000, s31;
	s1 =	sadd.s32 s1, s30  }
0xbc: {  	s0 =	sor.u32 s3, s0;
	s1 =	sshll.u32 s1, $0x11  }
0xbd: {  	s0 =	sor.u32 s1, s0  }
0xbe: {  	s0 =	sadd.s32 $0x8F2B, s0  }
0xbf: {  	[sflag:s0] =	ssyncadd.remote.s32 $0x1  }
0xc0: {  	_ =	sfence.sel $0xFFFF  }
0xc1: {  	[dreg:$0x0] =	wrdreg $0xFFFFFFFF;
	(pc) =	sbr.abs _section_cstart, $3  }
0xc2: {  	[dreg:$0x1] =	wrdreg $0xFFFFFFFF  }
0xc3: {  	_ =	task.clear_ibuf [dreg:s8], $0x2FFFF;
	_ =	strace $0x9FFFFFFF  }
0xc4: {  	(tm) =	ssettm $0x7FFFFFFF  }
0xc5: {  	_ =	shalt  }
tec
execute0_lowered:
.L_overlay_start_1:
0x0: {  	(tag) =	ssettag $0x1  }
0x1: {  	s0 =	srdreg.scid;
	s3 =	stileid.u32  }
0x2: {  	s0 =	sand.u32 $0x1, s0;
	s1 =	sshll.u32 s3, $0x1  }
0x3: {  	s1 =	sor.u32 s0, s1  }
0x4: {  	s2 =	smul.u32 $0x28, s1  }
0x5: {  	p0 =	slt.u32 s3, $0xA;
	s3 =	simm.s32 $0x29;
	s1 =	smin.u32 s1, $0x14  }
0x6: {  	s3 =	simm.s32 @!p0 $0x28;
	s1 =	sadd.s32 s1, s2  }
0x7: {  	s2 =	sadd.s32 s3, s1  }
0x8: {  	s4 =	sadd.s32 $0xFFFFFFFF, s2  }
0x9: {  	s4 =	sand.u32 $0xFFFE, s4  }
0xa: {  	s5 =	smul.u32 $0x51F, s1;
	s6 =	sshrl.u32 s4, $0x1  }
0xb: {  	s8 =	smul.u32 $0x147B, s6;
	_ =	sdelay $0x1  }
0xc: {  	s7 =	sshrl.u32 s5, $0x10;
	s5 =	sshrl.u32 s8, $0x11  }
0xd: {  	p0 =	slt.u32 s5, s7  }
.Ltmp0:
0xe: {  	_ = 	snop;
	(pc) =	sbr.rel @!p0 .LBB2_1-.Ltmp0, $4  }
0xf: {  	_ = 	snop  }
0x10: {  	s3 =	rddreg [dreg:$0x0];
	s6 =	simm.s32 $0x0  }
0x11: {  	[smem:$0x7FF] =	sst s6  }
0x12: {  	s4 =	rddreg [dreg:$0x2];
	_ =	strace $0x80000047  }
.LBB2_24:
0x13: {  	_ =	sfence.sel $0x180000  }
0x14: {  	[bflag:$0x0] =	sbarrier.arrive $0xFFFF  }
0x15: {  	_ =	strace $0x90000047  }
0x16: {  	s0 =	stileid.u32;
	[bflag:$0x2] =	sbarrier.arrive $0xFFFF  }
0x17: {  	p0 =	sne.s32 s0, $0x0;
	s0 =	rddreg [dreg:$0x3]  }
0x18: {  	s0 =	sadd.s32 @!p0 $0x100000, s0  }
0x19: {  	[sflag:s0] =	ssyncadd.tile.s32 @!p0 $0x1;
	_ =	shalt  }
.LBB2_1:
0x1a: {  	s8 =	sadd.s32 $0x1800, s4;
	s0 =	ssub.s32 $0x2, s0;
	s9 =	sadd.s32 $0x2800, s4  }
0x1b: {  	s5 =	ssub.s32 s5, s7;
	s10 =	sadd.s32 $0x3800, s4;
	s14 =	simm.s32 $0x80  }
.Ltmp1:
0x1c: {  	s15 =	simm.s32 $0x400;
	s17 =	simm.s32 $0x3;
	(pc) =	sbr.rel .LBB2_2-.Ltmp1, $4  }
0x1d: {  	s18 =	simm.s32 $0x1C700;
	s19 =	simm.s32 $0x1D700;
	s11 =	sshrl.u32 s0, $0x1  }
0x1e: {  	s20 =	simm.s32 $0x1;
	s21 =	simm.s32 $0x2;
	s0 =	ssub.s32 s0, s11  }
0x1f: {  	s5 =	sadd.s32 $0x1, s5;
	s11 =	sadd.s32 $0x4800, s4;
	s0 =	smax.u32 s0, $0x1  }
0x20: {  	s12 =	sand.u32 $0xFFFF, s5;
	s4 =	simm.s32 $0x0;
	[dreg:$0x4] =	wrdreg s0  }
.LBB2_23:
0x21: {  	s4 =	rddreg [dreg:$0x5]  }
0x22: {  	s0 =	rddreg [dreg:$0x4];
	s4 =	sadd.s32 $0x1, s4  }
0x23: {  	p0 =	sne.s32 s4, s0  }
.Ltmp2:
0x24: {  	_ = 	snop;
	(pc) =	sbr.rel @!p0 .LBB2_24-.Ltmp2, $1  }
0x25: {  	_ =	sdelay $0x3  }
.LBB2_2:
.Ltmp3:
0x26: {  	(pc) =	sbr.rel .LBB2_3-.Ltmp3, $2  }
0x27: {  	_ =	sdelay $0x2  }
0x28: {  	[dreg:$0x5] =	wrdreg s4;
	s23 =	simm.s32 $0x0  }
.LBB2_22:
0x29: {  	s23 =	sadd.s32 $0x1, s23  }
0x2a: {  	p0 =	sne.s32 s23, s12  }
.Ltmp4:
0x2b: {  	_ = 	snop;
	(pc) =	sbr.rel @!p0 .LBB2_23-.Ltmp4, $1  }
0x2c: {  	_ =	sdelay $0x3  }
.LBB2_3:
0x2d: {  	s0 =	sadd.s32 s7, s23  }
0x2e: {  	s4 =	sshll.u32 s0, $0xE;
	s5 =	sshll.u32 s0, $0x7  }
0x2f: {  	s4 =	sand.u32 $0xFFFE0000, s4;
	s5 =	sand.u32 $0x380, s5  }
0x30: {  	s4 =	sor.u32 s5, s4  }
0x31: {  	s30 =	rddreg [dreg:$0x1];
	s4 =	sshrl.u32 s4, $0x3  }
0x32: {  	s31 =	simm.s32 $0x18700;
	s24 =	smul.u32 $0x32, s0;
	s4 =	sadd.s32 s30, s4  }
0x33: {  	[tilespmem:s31], [sflag:$0x3] =	stream.strided.gather [hbm4b:s4+s14], $0x4000, s15, s14, $0x38;
	[tilespmem:$0x1E700] =	vst v63  }
0x34: {  	s4 =	sadd.s32 $0x32, s24  }
0x35: {  	p0 =	sgt.s32 s1, s24;
	s25 =	smov.u32 s24;
	p1 =	slt.s32 s2, s4  }
0x36: {  	s25 =	smov.u32 @p0 s1;
	s4 =	smov.u32 @p1 s2  }
0x37: {  	s26 =	ssub.s32 s4, s25  }
0x38: {  	p0 =	slt.s32 s26, $0x1  }
.Ltmp5:
0x39: {  	_ = 	snop;
	(pc) =	sbr.rel @p0 .LBB2_22-.Ltmp5, $4  }
0x3a: {  	_ = 	snop  }
0x3b: {  	_ =	swait.ge [sflag:s17], $0x4000  }
0x3c: {  	[sflag:s17] =	ssyncset.done $0x0  }
0x3d: {  	[sflag:s17] =	ssyncadd.s32 $0xFFFFC000  }
0x3e: {  	s28 =	smul.u32 $0x558800, s0;
	s29 =	simm.s32 $0x0  }
.LBB2_5:
0x3f: {  	s30 =	sadd.s32 s25, s29  }
0x40: {  	s0 =	ssub.s32 s30, s24  }
0x41: {  	s4 =	sshrl.u32 s0, $0x3  }
0x42: {  	s4 =	smul.u32 $0xC3800, s4  }
0x43: {  	s0 =	sshll.u32 s0, $0x7  }
0x44: {  	s0 =	sand.u32 $0x380, s0;
	s4 =	sadd.s32 s28, s4  }
0x45: {  	s0 =	sor.u32 s0, s4  }
0x46: {  	s0 =	sshrl.u32 s0, $0x3  }
0x47: {  	s0 =	sadd.s32 s3, s0  }
0x48: {  	[tilespmem:s6], [sflag:$0x3] =	stream.strided.gather [hbm4b:s0+s14], $0x18700, s15, s14, $0x38;
	[tilespmem:$0x1E700] =	vst v63  }
0x49: {  	_ =	swait.ge [sflag:s17], $0x18700  }
0x4a: {  	s22 =	simm.s32 $0x0;
	[sflag:s17] =	ssyncset.done $0x0  }
0x4b: {  	s5 =	sand.u32 $0xFC0, s22;
	[sflag:s17] =	ssyncadd.s32 $0xFFFE7900  }
0x4c: {  	v1 =	vld [tilespmem:s5+$0x18780]  }
0x4d: {  	s13 =	simm.s32 $0xC0  }
0x4e: {  	s31 =	sand.u32 $0xFC0, s13  }
0x4f: {  	s0 =	simm.s32 $0x18760;
	v0 =	vld [tilespmem:s31+$0x18780]  }
0x50: {  	v3 =	vld [tilespmem:s0+$0xFFFFFFA0]  }
0x51: {  	v5 =	vld [tilespmem:s0+$0xFFFFFFB0]  }
0x52: {  	v6 =	vld [tilespmem:s0+$0xFFFFFFC0]  }
0x53: {  	v7 =	vld [tilespmem:s0+$0xFFFFFFD0]  }
0x54: {  	v2 =	vld.idx.msk [tilespmem:v1+s6+$0x0], $0xffff  }
0x55: {  	v1 =	vld [tilespmem:s0+$0x50]  }
0x56: {  	v9 =	vld [tilespmem:s0+$0xFFFFFFE0]  }
0x57: {  	v10 =	vld [tilespmem:s0+$0xFFFFFFF0]  }
0x58: {  	v11 =	vld [tilespmem:s0+$0x0]  }
0x59: {  	v13 =	vld [tilespmem:s0+$0x10]  }
0x5a: {  	v4 =	vld [tilespmem:s0+$0x30]  }
0x5b: {  	v3 =	vld.idx.msk [tilespmem:v3+s6+$0x0], $0xffff  }
0x5c: {  	v14 =	vld.idx.msk [tilespmem:v5+s6+$0x0], $0xffff  }
0x5d: {  	v12 =	vld.idx.msk [tilespmem:v1+s6+$0x0], $0xffff  }
0x5e: {  	v1 =	vld [tilespmem:s0+$0x40]  }
0x5f: {  	v8 =	vld.idx.msk [tilespmem:v6+s6+$0x0], $0xffff  }
0x60: {  	v7 =	vld.idx.msk [tilespmem:v7+s6+$0x0], $0xffff  }
0x61: {  	s4 =	simm.s32 $0x1C760;
	v6 =	vld.idx.msk [tilespmem:v9+s6+$0x0], $0xffff;
	[tilespmem:s5+$0x1C780] =	vst v2  }
0x62: {  	v5 =	vld.idx.msk [tilespmem:v10+s6+$0x0], $0xffff;
	[tilespmem:s4+$0xFFFFFFA0] =	vst v3  }
0x63: {  	v2 =	vld.idx.msk [tilespmem:v11+s6+$0x0], $0xffff;
	[tilespmem:s4+$0xFFFFFFB0] =	vst v14  }
0x64: {  	v3 =	vld.idx.msk [tilespmem:v13+s6+$0x0], $0xffff;
	[tilespmem:s4+$0x50] =	vst v12  }
.LBB2_6:
0x65: {  	s13 =	sadd.s32 $0xC0, s13;
	[tilespmem:s4+$0xFFFFFFC0] =	vst v8;
	v4 =	vld.idx.msk [tilespmem:v4+s6+$0x0], $0xffff  }
0x66: {  	s5 =	sand.u32 $0xFC0, s13;
	[tilespmem:s4+$0xFFFFFFD0] =	vst v7;
	v1 =	vld.idx.msk [tilespmem:v1+s6+$0x0], $0xffff  }
0x67: {  	p0 =	slt.u32 s13, $0xF00;
	v7 =	vld [tilespmem:s5+$0x18780];
	[tilespmem:s4+$0xFFFFFFE0] =	vst v6  }
0x68: {  	s0 =	sadd.s32 $0xC0, s0;
	v6 =	vld.idx.msk [tilespmem:v0+s6+$0x0], $0xffff;
	[tilespmem:s4+$0xFFFFFFF0] =	vst v5  }
0x69: {  	v5 =	vld [tilespmem:s0+$0x50];
	[tilespmem:s4+$0x0] =	vst v2  }
0x6a: {  	v2 =	vld [tilespmem:s0+$0xFFFFFFA0];
	[tilespmem:s4+$0x10] =	vst v3  }
0x6b: {  	v3 =	vld [tilespmem:s0+$0xFFFFFFB0];
	[tilespmem:s4+$0x30] =	vst v4  }
0x6c: {  	v8 =	vld [tilespmem:s0+$0xFFFFFFC0];
	[tilespmem:s4+$0x40] =	vst v1;
	v0 =	vmov v7  }
0x6d: {  	v7 =	vld [tilespmem:s0+$0xFFFFFFD0]  }
0x6e: {  	v9 =	vld [tilespmem:s0+$0xFFFFFFE0]  }
0x6f: {  	v10 =	vld [tilespmem:s0+$0xFFFFFFF0]  }
0x70: {  	v11 =	vld [tilespmem:s0+$0x0]  }
0x71: {  	v5 =	vld.idx.msk [tilespmem:v5+s6+$0x0], $0xffff  }
0x72: {  	v12 =	vld [tilespmem:s0+$0x10]  }
0x73: {  	v4 =	vld [tilespmem:s0+$0x30]  }
0x74: {  	v1 =	vld [tilespmem:s0+$0x40]  }
0x75: {  	v2 =	vld.idx.msk [tilespmem:v2+s6+$0x0], $0xffff  }
0x76: {  	s4 =	sadd.s32 $0xC0, s4;
	v3 =	vld.idx.msk [tilespmem:v3+s6+$0x0], $0xffff;
	[tilespmem:s31+$0x1C780] =	vst v6;
	s31 =	smov.u32 s5  }
0x77: {  	v8 =	vld.idx.msk [tilespmem:v8+s6+$0x0], $0xffff;
	[tilespmem:s4+$0x50] =	vst v5  }
.Ltmp6:
0x78: {  	v7 =	vld.idx.msk [tilespmem:v7+s6+$0x0], $0xffff;
	(pc) =	sbr.rel @p0 .LBB2_6-.Ltmp6, $4  }
0x79: {  	v6 =	vld.idx.msk [tilespmem:v9+s6+$0x0], $0xffff  }
0x7a: {  	v5 =	vld.idx.msk [tilespmem:v10+s6+$0x0], $0xffff  }
0x7b: {  	[tilespmem:s4+$0xFFFFFFA0] =	vst v2;
	v2 =	vld.idx.msk [tilespmem:v11+s6+$0x0], $0xffff  }
0x7c: {  	[tilespmem:s4+$0xFFFFFFB0] =	vst v3;
	v3 =	vld.idx.msk [tilespmem:v12+s6+$0x0], $0xffff  }
0x7d: {  	_ =	sdelay $0x3  }
0x7e: {  	v4 =	vld.idx.msk [tilespmem:v4+s6+$0x0], $0xffff  }
0x7f: {  	v1 =	vld.idx.msk [tilespmem:v1+s6+$0x0], $0xffff  }
0x80: {  	v0 =	vld.idx.msk [tilespmem:v0+s6+$0x0], $0xffff;
	s0 =	sadd.s32 $0xC0, s0  }
0x81: {  	v9 =	vld [tilespmem:s0+$0x50]  }
0x82: {  	v10 =	vld [tilespmem:s0+$0xFFFFFFA0]  }
0x83: {  	v11 =	vld [tilespmem:s0+$0xFFFFFFB0]  }
0x84: {  	v12 =	vld [tilespmem:s0+$0xFFFFFFC0]  }
0x85: {  	v13 =	vld [tilespmem:s0+$0xFFFFFFD0]  }
0x86: {  	v14 =	vld [tilespmem:s0+$0xFFFFFFE0]  }
0x87: {  	v15 =	vld [tilespmem:s0+$0xFFFFFFF0]  }
0x88: {  	[tilespmem:s4+$0xFFFFFFC0] =	vst v8;
	v49 =	vld [tilespmem:s0+$0x0]  }
0x89: {  	[tilespmem:s4+$0xFFFFFFD0] =	vst v7;
	v51 =	vld [tilespmem:s0+$0x10]  }
0x8a: {  	[tilespmem:s4+$0xFFFFFFE0] =	vst v6;
	v52 =	vld [tilespmem:s0+$0x30]  }
0x8b: {  	v53 =	vld [tilespmem:s0+$0x40];
	[tilespmem:s4+$0xFFFFFFF0] =	vst v5  }
0x8c: {  	[tilespmem:s4+$0x0] =	vst v2;
	v50 =	vld.idx.msk [tilespmem:v9+s6+$0x0], $0xffff  }
0x8d: {  	[tilespmem:s4+$0x10] =	vst v3;
	v54 =	vld.idx.msk [tilespmem:v10+s6+$0x0], $0xffff  }
0x8e: {  	[tilespmem:s4+$0x30] =	vst v4;
	v55 =	vld.idx.msk [tilespmem:v11+s6+$0x0], $0xffff  }
0x8f: {  	[tilespmem:s4+$0x40] =	vst v1;
	v56 =	vld.idx.msk [tilespmem:v12+s6+$0x0], $0xffff  }
0x90: {  	s13 =	sadd.s32 $0xC0, s4;
	[tilespmem:s31+$0x1C780] =	vst v0;
	v57 =	vld.idx.msk [tilespmem:v13+s6+$0x0], $0xffff  }
0x91: {  	v58 =	vld.idx.msk [tilespmem:v14+s6+$0x0], $0xffff;
	[tilespmem:s13+$0x50] =	vst v50  }
0x92: {  	v59 =	vld.idx.msk [tilespmem:v15+s6+$0x0], $0xffff;
	[tilespmem:s13+$0xFFFFFFA0] =	vst v54  }
0x93: {  	v60 =	vld.idx.msk [tilespmem:v49+s6+$0x0], $0xffff;
	[tilespmem:s13+$0xFFFFFFB0] =	vst v55  }
0x94: {  	v61 =	vld.idx.msk [tilespmem:v51+s6+$0x0], $0xffff;
	[tilespmem:s13+$0xFFFFFFC0] =	vst v56  }
0x95: {  	v62 =	vld.idx.msk [tilespmem:v52+s6+$0x0], $0xffff;
	[tilespmem:s13+$0xFFFFFFD0] =	vst v57  }
0x96: {  	v63 =	vld.idx.msk [tilespmem:v53+s6+$0x0], $0xffff;
	[tilespmem:s13+$0xFFFFFFE0] =	vst v58  }
0x97: {  	[tilespmem:s13+$0xFFFFFFF0] =	vst v59  }
0x98: {  	[tilespmem:s13+$0x0] =	vst v60  }
0x99: {  	[tilespmem:s13+$0x10] =	vst v61  }
0x9a: {  	[tilespmem:s13+$0x30] =	vst v62  }
0x9b: {  	s5 =	simm.s32 $0x196C0;
	s0 =	simm.s32 $0xFB0;
	s4 =	simm.s32 $0x1D6C0;
	[tilespmem:s13+$0x40] =	vst v63  }
.LBB2_8:
0x9c: {  	v0 =	vld [tilespmem:s5+$0x0];
	_ =	sdelay $0x6  }
0x9d: {  	s0 =	sadd.s32 $0x10, s0  }
0x9e: {  	p0 =	slt.u32 s0, $0xFF0;
	v0 =	vld.idx.msk [tilespmem:v0+s6+$0x0], $0xffff  }
.Ltmp7:
0x9f: {  	_ = 	snop;
	(pc) =	sbr.rel @p0 .LBB2_8-.Ltmp7, $2  }
0xa0: {  	_ =	sdelay $0x2  }
0xa1: {  	s5 =	sadd.s32 $0x10, s5;
	[tilespmem:s4+$0x0] =	vst v0;
	s4 =	sadd.s32 $0x10, s4  }
0xa2: {  	s0 =	sshll.u32 s30, $0xE;
	s4 =	sshll.u32 s30, $0x7  }
0xa3: {  	s0 =	sand.u32 $0xFFFE0000, s0;
	s4 =	sand.u32 $0x380, s4  }
0xa4: {  	s0 =	sor.u32 s4, s0  }
0xa5: {  	s30 =	sshrl.u32 s0, $0x3  }
0xa6: {  	s22 =	simm.s32 $0x197B0;
	s0 =	sadd.s32 s8, s30  }
0xa7: {  	[hbm4b:s0+s14] =	stream.strided.scatter [tilespmem:s18], [sflag:$0x1], $0x1000, s15, s14, $0x38;
	[tilespmem:$0x1E700] =	vst v63  }
0xa8: {  	v0 =	vld [tilespmem:s22+$0xFFFFFF60]  }
0xa9: {  	v1 =	vld [tilespmem:s22+$0xFFFFFF70]  }
0xaa: {  	s4 =	simm.s32 $0x0;
	v2 =	vld [tilespmem:s22+$0xFFFFFF80]  }
0xab: {  	s5 =	sand.u32 $0xFC0, s4;
	v3 =	vld [tilespmem:s22+$0xFFFFFF90]  }
0xac: {  	v4 =	vld [tilespmem:s5+$0x19780]  }
0xad: {  	v5 =	vld [tilespmem:s5+$0x19700]  }
0xae: {  	v6 =	vld [tilespmem:s22+$0xFFFFFFA0]  }
0xaf: {  	v7 =	vld [tilespmem:s22+$0xFFFFFFB0]  }
0xb0: {  	v8 =	vld [tilespmem:s22+$0xFFFFFFC0]  }
0xb1: {  	v9 =	vld [tilespmem:s22+$0xFFFFFFE0]  }
0xb2: {  	v10 =	vld [tilespmem:s22+$0xFFFFFFF0]  }
0xb3: {  	v11 =	vld [tilespmem:s22+$0x0]  }
0xb4: {  	v4 =	vld.idx.msk [tilespmem:v4+s6+$0x0], $0xffff  }
0xb5: {  	v5 =	vld.idx.msk [tilespmem:v5+s6+$0x0], $0xffff  }
0xb6: {  	v12 =	vld.idx.msk [tilespmem:v0+s6+$0x0], $0xffff  }
0xb7: {  	v1 =	vld.idx.msk [tilespmem:v1+s6+$0x0], $0xffff  }
0xb8: {  	v13 =	vld.idx.msk [tilespmem:v2+s6+$0x0], $0xffff  }
0xb9: {  	v14 =	vld.idx.msk [tilespmem:v3+s6+$0x0], $0xffff  }
0xba: {  	s22 =	simm.s32 $0x1D760;
	v0 =	vld.idx.msk [tilespmem:v6+s6+$0x0], $0xffff;
	[tilespmem:s5+$0x1D780] =	vst v4  }
0xbb: {  	v2 =	vld.idx.msk [tilespmem:v7+s6+$0x0], $0xffff;
	[tilespmem:s22+$0xFFFFFFA0] =	vst v5  }
0xbc: {  	v3 =	vld.idx.msk [tilespmem:v8+s6+$0x0], $0xffff;
	[tilespmem:s22+$0xFFFFFFB0] =	vst v12  }
0xbd: {  	[tilespmem:s22+$0xFFFFFFC0] =	vst v1;
	v1 =	vld.idx.msk [tilespmem:v9+s6+$0x0], $0xffff  }
0xbe: {  	s13 =	simm.s32 $0x19740;
	[tilespmem:s22+$0xFFFFFFD0] =	vst v13;
	v4 =	vld.idx.msk [tilespmem:v10+s6+$0x0], $0xffff  }
0xbf: {  	s31 =	simm.s32 $0xFC0;
	s0 =	simm.s32 $0x1E6C0;
	[tilespmem:s22+$0xFFFFFFE0] =	vst v14;
	v5 =	vld.idx.msk [tilespmem:v11+s6+$0x0], $0xffff;
	s5 =	simm.s32 $0x19870  }
.LBB2_10:
0xc0: {  	v6 =	vld [tilespmem:s5+$0xFFFFFF60];
	[tilespmem:s22+$0xFFFFFFF0] =	vst v0  }
0xc1: {  	v0 =	vld [tilespmem:s5+$0xFFFFFF70];
	[tilespmem:s22+$0x0] =	vst v2  }
0xc2: {  	s4 =	sadd.s32 $0xC0, s4;
	v2 =	vld [tilespmem:s5+$0xFFFFFF80];
	[tilespmem:s22+$0x10] =	vst v3  }
0xc3: {  	s16 =	sand.u32 $0xFC0, s4;
	p0 =	slt.u32 s4, $0xF00;
	v3 =	vld [tilespmem:s5+$0xFFFFFF90];
	[tilespmem:s22+$0x30] =	vst v1  }
0xc4: {  	v1 =	vld [tilespmem:s16+$0x19780];
	[tilespmem:s22+$0x40] =	vst v4  }
0xc5: {  	v4 =	vld [tilespmem:s16+$0x19700];
	[tilespmem:s22+$0x50] =	vst v5  }
0xc6: {  	v5 =	vld [tilespmem:s5+$0xFFFFFFA0]  }
0xc7: {  	v7 =	vld [tilespmem:s5+$0xFFFFFFB0]  }
0xc8: {  	v8 =	vld [tilespmem:s5+$0xFFFFFFC0]  }
0xc9: {  	v9 =	vld [tilespmem:s5+$0xFFFFFFE0]  }
0xca: {  	v10 =	vld [tilespmem:s5+$0xFFFFFFF0]  }
0xcb: {  	v11 =	vld [tilespmem:s5+$0x0]  }
0xcc: {  	v1 =	vld.idx.msk [tilespmem:v1+s6+$0x0], $0xffff  }
0xcd: {  	v4 =	vld.idx.msk [tilespmem:v4+s6+$0x0], $0xffff  }
0xce: {  	v6 =	vld.idx.msk [tilespmem:v6+s6+$0x0], $0xffff  }
0xcf: {  	v12 =	vld.idx.msk [tilespmem:v0+s6+$0x0], $0xffff  }
0xd0: {  	v13 =	vld.idx.msk [tilespmem:v2+s6+$0x0], $0xffff  }
0xd1: {  	v14 =	vld.idx.msk [tilespmem:v3+s6+$0x0], $0xffff  }
0xd2: {  	s22 =	sadd.s32 $0xC0, s22;
	v0 =	vld.idx.msk [tilespmem:v5+s6+$0x0], $0xffff;
	[tilespmem:s16+$0x1D780] =	vst v1;
	s16 =	simm.s32 $0xFB0  }
.Ltmp8:
0xd3: {  	[tilespmem:s22+$0xFFFFFFA0] =	vst v4;
	v2 =	vld.idx.msk [tilespmem:v7+s6+$0x0], $0xffff;
	(pc) =	sbr.rel @p0 .LBB2_10-.Ltmp8, $4  }
0xd4: {  	[tilespmem:s22+$0xFFFFFFB0] =	vst v6;
	v3 =	vld.idx.msk [tilespmem:v8+s6+$0x0], $0xffff  }
0xd5: {  	[tilespmem:s22+$0xFFFFFFC0] =	vst v12;
	v1 =	vld.idx.msk [tilespmem:v9+s6+$0x0], $0xffff  }
0xd6: {  	[tilespmem:s22+$0xFFFFFFD0] =	vst v13;
	v4 =	vld.idx.msk [tilespmem:v10+s6+$0x0], $0xffff  }
0xd7: {  	s5 =	sadd.s32 $0xC0, s5;
	[tilespmem:s22+$0xFFFFFFE0] =	vst v14;
	v5 =	vld.idx.msk [tilespmem:v11+s6+$0x0], $0xffff  }
0xd8: {  	[tilespmem:s22+$0xFFFFFFF0] =	vst v0  }
0xd9: {  	[tilespmem:s22+$0x0] =	vst v2  }
0xda: {  	[tilespmem:s22+$0x10] =	vst v3  }
0xdb: {  	[tilespmem:s22+$0x30] =	vst v1  }
0xdc: {  	[tilespmem:s22+$0x40] =	vst v4  }
0xdd: {  	[tilespmem:s22+$0x50] =	vst v5  }
.LBB2_12:
0xde: {  	s4 =	sand.u32 $0x3FFFFF80, s31  }
0xdf: {  	s4 =	sadd.s32 s4, s13  }
0xe0: {  	v0 =	vld [tilespmem:s4+$0x0];
	_ =	sdelay $0x6  }
0xe1: {  	s16 =	sadd.s32 $0x10, s16  }
0xe2: {  	p0 =	slt.u32 s16, $0xFF0;
	v0 =	vld.idx.msk [tilespmem:v0+s6+$0x0], $0xffff  }
.Ltmp9:
0xe3: {  	_ = 	snop;
	(pc) =	sbr.rel @p0 .LBB2_12-.Ltmp9, $2  }
0xe4: {  	_ =	sdelay $0x2  }
0xe5: {  	s31 =	sadd.s32 $0x10, s31;
	s13 =	sadd.s32 $0x10, s13;
	[tilespmem:s0+$0x0] =	vst v0;
	s0 =	sadd.s32 $0x10, s0  }
0xe6: {  	s0 =	sadd.s32 s30, s9  }
0xe7: {  	[hbm4b:s0+s14] =	stream.strided.scatter [tilespmem:s19], [sflag:$0x2], $0x1000, s15, s14, $0x38;
	[tilespmem:$0x1E700] =	vst v63  }
0xe8: {  	_ =	swait.ge [sflag:s20], $0x1000  }
0xe9: {  	[sflag:s20] =	ssyncset.done $0x0  }
0xea: {  	s31 =	simm.s32 $0x1A7B0;
	[sflag:s20] =	ssyncadd.s32 $0xFFFFF000  }
0xeb: {  	v0 =	vld [tilespmem:s31+$0xFFFFFF60]  }
0xec: {  	v1 =	vld [tilespmem:s31+$0xFFFFFF70]  }
0xed: {  	s4 =	simm.s32 $0x0;
	v2 =	vld [tilespmem:s31+$0xFFFFFF80]  }
0xee: {  	s5 =	sand.u32 $0xFC0, s4;
	v3 =	vld [tilespmem:s31+$0xFFFFFF90]  }
0xef: {  	v4 =	vld [tilespmem:s5+$0x1A780]  }
0xf0: {  	v5 =	vld [tilespmem:s5+$0x1A700]  }
0xf1: {  	v6 =	vld [tilespmem:s31+$0xFFFFFFA0]  }
0xf2: {  	v7 =	vld [tilespmem:s31+$0xFFFFFFB0]  }
0xf3: {  	v8 =	vld [tilespmem:s31+$0xFFFFFFC0]  }
0xf4: {  	v9 =	vld [tilespmem:s31+$0xFFFFFFE0]  }
0xf5: {  	v10 =	vld [tilespmem:s31+$0xFFFFFFF0]  }
0xf6: {  	v11 =	vld [tilespmem:s31+$0x0]  }
0xf7: {  	v4 =	vld.idx.msk [tilespmem:v4+s6+$0x0], $0xffff  }
0xf8: {  	v5 =	vld.idx.msk [tilespmem:v5+s6+$0x0], $0xffff  }
0xf9: {  	v12 =	vld.idx.msk [tilespmem:v0+s6+$0x0], $0xffff  }
0xfa: {  	v1 =	vld.idx.msk [tilespmem:v1+s6+$0x0], $0xffff  }
0xfb: {  	v13 =	vld.idx.msk [tilespmem:v2+s6+$0x0], $0xffff  }
0xfc: {  	v14 =	vld.idx.msk [tilespmem:v3+s6+$0x0], $0xffff  }
0xfd: {  	s13 =	simm.s32 $0x1C760;
	v0 =	vld.idx.msk [tilespmem:v6+s6+$0x0], $0xffff;
	[tilespmem:s5+$0x1C780] =	vst v4  }
0xfe: {  	v2 =	vld.idx.msk [tilespmem:v7+s6+$0x0], $0xffff;
	[tilespmem:s13+$0xFFFFFFA0] =	vst v5  }
0xff: {  	v3 =	vld.idx.msk [tilespmem:v8+s6+$0x0], $0xffff;
	[tilespmem:s13+$0xFFFFFFB0] =	vst v12  }
0x100: {  	[tilespmem:s13+$0xFFFFFFC0] =	vst v1;
	v1 =	vld.idx.msk [tilespmem:v9+s6+$0x0], $0xffff  }
0x101: {  	[tilespmem:s13+$0xFFFFFFD0] =	vst v13;
	v4 =	vld.idx.msk [tilespmem:v10+s6+$0x0], $0xffff  }
0x102: {  	s22 =	simm.s32 $0x1A870;
	s0 =	simm.s32 $0x1A740;
	[tilespmem:s13+$0xFFFFFFE0] =	vst v14;
	v5 =	vld.idx.msk [tilespmem:v11+s6+$0x0], $0xffff  }
.LBB2_14:
0x103: {  	v6 =	vld [tilespmem:s22+$0xFFFFFF60];
	[tilespmem:s13+$0xFFFFFFF0] =	vst v0  }
0x104: {  	v0 =	vld [tilespmem:s22+$0xFFFFFF70];
	[tilespmem:s13+$0x0] =	vst v2  }
0x105: {  	s4 =	sadd.s32 $0xC0, s4;
	v2 =	vld [tilespmem:s22+$0xFFFFFF80];
	[tilespmem:s13+$0x10] =	vst v3  }
0x106: {  	s16 =	sand.u32 $0xFC0, s4;
	p0 =	slt.u32 s4, $0xF00;
	v3 =	vld [tilespmem:s22+$0xFFFFFF90];
	[tilespmem:s13+$0x30] =	vst v1  }
0x107: {  	v1 =	vld [tilespmem:s16+$0x1A780];
	[tilespmem:s13+$0x40] =	vst v4  }
0x108: {  	v4 =	vld [tilespmem:s16+$0x1A700];
	[tilespmem:s13+$0x50] =	vst v5  }
0x109: {  	v5 =	vld [tilespmem:s22+$0xFFFFFFA0]  }
0x10a: {  	v7 =	vld [tilespmem:s22+$0xFFFFFFB0]  }
0x10b: {  	v8 =	vld [tilespmem:s22+$0xFFFFFFC0]  }
0x10c: {  	v9 =	vld [tilespmem:s22+$0xFFFFFFE0]  }
0x10d: {  	v10 =	vld [tilespmem:s22+$0xFFFFFFF0]  }
0x10e: {  	v11 =	vld [tilespmem:s22+$0x0]  }
0x10f: {  	v1 =	vld.idx.msk [tilespmem:v1+s6+$0x0], $0xffff  }
0x110: {  	v4 =	vld.idx.msk [tilespmem:v4+s6+$0x0], $0xffff  }
0x111: {  	v6 =	vld.idx.msk [tilespmem:v6+s6+$0x0], $0xffff  }
0x112: {  	v12 =	vld.idx.msk [tilespmem:v0+s6+$0x0], $0xffff  }
0x113: {  	v13 =	vld.idx.msk [tilespmem:v2+s6+$0x0], $0xffff  }
0x114: {  	s5 =	simm.s32 $0x1D6C0;
	v14 =	vld.idx.msk [tilespmem:v3+s6+$0x0], $0xffff  }
0x115: {  	s31 =	simm.s32 $0xFC0;
	s13 =	sadd.s32 $0xC0, s13;
	v0 =	vld.idx.msk [tilespmem:v5+s6+$0x0], $0xffff;
	[tilespmem:s16+$0x1C780] =	vst v1;
	s16 =	simm.s32 $0xFB0  }
.Ltmp10:
0x116: {  	[tilespmem:s13+$0xFFFFFFA0] =	vst v4;
	v2 =	vld.idx.msk [tilespmem:v7+s6+$0x0], $0xffff;
	(pc) =	sbr.rel @p0 .LBB2_14-.Ltmp10, $4  }
0x117: {  	[tilespmem:s13+$0xFFFFFFB0] =	vst v6;
	v3 =	vld.idx.msk [tilespmem:v8+s6+$0x0], $0xffff  }
0x118: {  	[tilespmem:s13+$0xFFFFFFC0] =	vst v12;
	v1 =	vld.idx.msk [tilespmem:v9+s6+$0x0], $0xffff  }
0x119: {  	[tilespmem:s13+$0xFFFFFFD0] =	vst v13;
	v4 =	vld.idx.msk [tilespmem:v10+s6+$0x0], $0xffff  }
0x11a: {  	s22 =	sadd.s32 $0xC0, s22;
	[tilespmem:s13+$0xFFFFFFE0] =	vst v14;
	v5 =	vld.idx.msk [tilespmem:v11+s6+$0x0], $0xffff  }
0x11b: {  	[tilespmem:s13+$0xFFFFFFF0] =	vst v0  }
0x11c: {  	[tilespmem:s13+$0x0] =	vst v2  }
0x11d: {  	[tilespmem:s13+$0x10] =	vst v3  }
0x11e: {  	[tilespmem:s13+$0x30] =	vst v1  }
0x11f: {  	[tilespmem:s13+$0x40] =	vst v4  }
0x120: {  	[tilespmem:s13+$0x50] =	vst v5  }
.LBB2_16:
0x121: {  	s4 =	sand.u32 $0x3FFFFF80, s31  }
0x122: {  	s4 =	sadd.s32 s4, s0  }
0x123: {  	v0 =	vld [tilespmem:s4+$0x0];
	_ =	sdelay $0x6  }
0x124: {  	s16 =	sadd.s32 $0x10, s16  }
0x125: {  	p0 =	slt.u32 s16, $0xFF0;
	v0 =	vld.idx.msk [tilespmem:v0+s6+$0x0], $0xffff  }
.Ltmp11:
0x126: {  	_ = 	snop;
	(pc) =	sbr.rel @p0 .LBB2_16-.Ltmp11, $2  }
0x127: {  	_ =	sdelay $0x2  }
0x128: {  	s31 =	sadd.s32 $0x10, s31;
	s0 =	sadd.s32 $0x10, s0;
	[tilespmem:s5+$0x0] =	vst v0;
	s5 =	sadd.s32 $0x10, s5  }
0x129: {  	s0 =	sadd.s32 s30, s10  }
0x12a: {  	[hbm4b:s0+s14] =	stream.strided.scatter [tilespmem:s18], [sflag:$0x1], $0x1000, s15, s14, $0x38;
	[tilespmem:$0x1E700] =	vst v63  }
0x12b: {  	_ =	swait.ge [sflag:s21], $0x1000  }
0x12c: {  	[sflag:s21] =	ssyncset.done $0x0  }
0x12d: {  	s31 =	simm.s32 $0x1B7B0;
	[sflag:s21] =	ssyncadd.s32 $0xFFFFF000  }
0x12e: {  	v0 =	vld [tilespmem:s31+$0xFFFFFF60]  }
0x12f: {  	v1 =	vld [tilespmem:s31+$0xFFFFFF70]  }
0x130: {  	s4 =	simm.s32 $0x0;
	v2 =	vld [tilespmem:s31+$0xFFFFFF80]  }
0x131: {  	s5 =	sand.u32 $0xFC0, s4;
	v3 =	vld [tilespmem:s31+$0xFFFFFF90]  }
0x132: {  	v4 =	vld [tilespmem:s5+$0x1B780]  }
0x133: {  	v5 =	vld [tilespmem:s5+$0x1B700]  }
0x134: {  	v6 =	vld [tilespmem:s31+$0xFFFFFFA0]  }
0x135: {  	v7 =	vld [tilespmem:s31+$0xFFFFFFB0]  }
0x136: {  	v8 =	vld [tilespmem:s31+$0xFFFFFFC0]  }
0x137: {  	v9 =	vld [tilespmem:s31+$0xFFFFFFE0]  }
0x138: {  	v10 =	vld [tilespmem:s31+$0xFFFFFFF0]  }
0x139: {  	v11 =	vld [tilespmem:s31+$0x0]  }
0x13a: {  	v4 =	vld.idx.msk [tilespmem:v4+s6+$0x0], $0xffff  }
0x13b: {  	v5 =	vld.idx.msk [tilespmem:v5+s6+$0x0], $0xffff  }
0x13c: {  	v12 =	vld.idx.msk [tilespmem:v0+s6+$0x0], $0xffff  }
0x13d: {  	v1 =	vld.idx.msk [tilespmem:v1+s6+$0x0], $0xffff  }
0x13e: {  	v13 =	vld.idx.msk [tilespmem:v2+s6+$0x0], $0xffff  }
0x13f: {  	v14 =	vld.idx.msk [tilespmem:v3+s6+$0x0], $0xffff  }
0x140: {  	s13 =	simm.s32 $0x1D760;
	v0 =	vld.idx.msk [tilespmem:v6+s6+$0x0], $0xffff;
	[tilespmem:s5+$0x1D780] =	vst v4  }
0x141: {  	v2 =	vld.idx.msk [tilespmem:v7+s6+$0x0], $0xffff;
	[tilespmem:s13+$0xFFFFFFA0] =	vst v5  }
0x142: {  	v3 =	vld.idx.msk [tilespmem:v8+s6+$0x0], $0xffff;
	[tilespmem:s13+$0xFFFFFFB0] =	vst v12  }
0x143: {  	[tilespmem:s13+$0xFFFFFFC0] =	vst v1;
	v1 =	vld.idx.msk [tilespmem:v9+s6+$0x0], $0xffff  }
0x144: {  	[tilespmem:s13+$0xFFFFFFD0] =	vst v13;
	v4 =	vld.idx.msk [tilespmem:v10+s6+$0x0], $0xffff  }
0x145: {  	s22 =	simm.s32 $0x1B870;
	s0 =	simm.s32 $0x1B740;
	[tilespmem:s13+$0xFFFFFFE0] =	vst v14;
	v5 =	vld.idx.msk [tilespmem:v11+s6+$0x0], $0xffff  }
.LBB2_18:
0x146: {  	v6 =	vld [tilespmem:s22+$0xFFFFFF60];
	[tilespmem:s13+$0xFFFFFFF0] =	vst v0  }
0x147: {  	v0 =	vld [tilespmem:s22+$0xFFFFFF70];
	[tilespmem:s13+$0x0] =	vst v2  }
0x148: {  	s4 =	sadd.s32 $0xC0, s4;
	v2 =	vld [tilespmem:s22+$0xFFFFFF80];
	[tilespmem:s13+$0x10] =	vst v3  }
0x149: {  	s16 =	sand.u32 $0xFC0, s4;
	p0 =	slt.u32 s4, $0xF00;
	v3 =	vld [tilespmem:s22+$0xFFFFFF90];
	[tilespmem:s13+$0x30] =	vst v1  }
0x14a: {  	v1 =	vld [tilespmem:s16+$0x1B780];
	[tilespmem:s13+$0x40] =	vst v4  }
0x14b: {  	v4 =	vld [tilespmem:s16+$0x1B700];
	[tilespmem:s13+$0x50] =	vst v5  }
0x14c: {  	v5 =	vld [tilespmem:s22+$0xFFFFFFA0]  }
0x14d: {  	v7 =	vld [tilespmem:s22+$0xFFFFFFB0]  }
0x14e: {  	v8 =	vld [tilespmem:s22+$0xFFFFFFC0]  }
0x14f: {  	v9 =	vld [tilespmem:s22+$0xFFFFFFE0]  }
0x150: {  	v10 =	vld [tilespmem:s22+$0xFFFFFFF0]  }
0x151: {  	v11 =	vld [tilespmem:s22+$0x0]  }
0x152: {  	v1 =	vld.idx.msk [tilespmem:v1+s6+$0x0], $0xffff  }
0x153: {  	v4 =	vld.idx.msk [tilespmem:v4+s6+$0x0], $0xffff  }
0x154: {  	v6 =	vld.idx.msk [tilespmem:v6+s6+$0x0], $0xffff  }
0x155: {  	v12 =	vld.idx.msk [tilespmem:v0+s6+$0x0], $0xffff  }
0x156: {  	v13 =	vld.idx.msk [tilespmem:v2+s6+$0x0], $0xffff  }
0x157: {  	s5 =	simm.s32 $0x1E6C0;
	v14 =	vld.idx.msk [tilespmem:v3+s6+$0x0], $0xffff  }
0x158: {  	s31 =	simm.s32 $0xFC0;
	s13 =	sadd.s32 $0xC0, s13;
	v0 =	vld.idx.msk [tilespmem:v5+s6+$0x0], $0xffff;
	[tilespmem:s16+$0x1D780] =	vst v1;
	s16 =	simm.s32 $0xFB0  }
.Ltmp12:
0x159: {  	[tilespmem:s13+$0xFFFFFFA0] =	vst v4;
	v2 =	vld.idx.msk [tilespmem:v7+s6+$0x0], $0xffff;
	(pc) =	sbr.rel @p0 .LBB2_18-.Ltmp12, $4  }
0x15a: {  	[tilespmem:s13+$0xFFFFFFB0] =	vst v6;
	v3 =	vld.idx.msk [tilespmem:v8+s6+$0x0], $0xffff  }
0x15b: {  	[tilespmem:s13+$0xFFFFFFC0] =	vst v12;
	v1 =	vld.idx.msk [tilespmem:v9+s6+$0x0], $0xffff  }
0x15c: {  	[tilespmem:s13+$0xFFFFFFD0] =	vst v13;
	v4 =	vld.idx.msk [tilespmem:v10+s6+$0x0], $0xffff  }
0x15d: {  	s22 =	sadd.s32 $0xC0, s22;
	[tilespmem:s13+$0xFFFFFFE0] =	vst v14;
	v5 =	vld.idx.msk [tilespmem:v11+s6+$0x0], $0xffff  }
0x15e: {  	[tilespmem:s13+$0xFFFFFFF0] =	vst v0  }
0x15f: {  	[tilespmem:s13+$0x0] =	vst v2  }
0x160: {  	[tilespmem:s13+$0x10] =	vst v3  }
0x161: {  	[tilespmem:s13+$0x30] =	vst v1  }
0x162: {  	[tilespmem:s13+$0x40] =	vst v4  }
0x163: {  	[tilespmem:s13+$0x50] =	vst v5  }
.LBB2_20:
0x164: {  	s4 =	sand.u32 $0x3FFFFF80, s31  }
0x165: {  	s4 =	sadd.s32 s4, s0  }
0x166: {  	v0 =	vld [tilespmem:s4+$0x0];
	_ =	sdelay $0x6  }
0x167: {  	s16 =	sadd.s32 $0x10, s16  }
0x168: {  	p0 =	slt.u32 s16, $0xFF0;
	v0 =	vld.idx.msk [tilespmem:v0+s6+$0x0], $0xffff  }
.Ltmp13:
0x169: {  	_ = 	snop;
	(pc) =	sbr.rel @p0 .LBB2_20-.Ltmp13, $2  }
0x16a: {  	_ =	sdelay $0x2  }
0x16b: {  	s31 =	sadd.s32 $0x10, s31;
	s0 =	sadd.s32 $0x10, s0;
	[tilespmem:s5+$0x0] =	vst v0;
	s5 =	sadd.s32 $0x10, s5  }
0x16c: {  	s0 =	sadd.s32 s30, s11;
	s29 =	sadd.s32 $0x1, s29  }
0x16d: {  	[hbm4b:s0+s14] =	stream.strided.scatter [tilespmem:s19], [sflag:$0x2], $0x1000, s15, s14, $0x38;
	[tilespmem:$0x1E700] =	vst v63  }
0x16e: {  	p0 =	slt.s32 s29, s26;
	_ =	swait.ge [sflag:s20], $0x1000  }
.Ltmp14:
0x16f: {  	[sflag:s20] =	ssyncset.done $0x0;
	(pc) =	sbr.rel @p0 .LBB2_5-.Ltmp14, $4  }
.Ltmp15:
0x170: {  	[sflag:s20] =	ssyncadd.s32 $0xFFFFF000;
	(pc) =	sbr.rel @!p0 .LBB2_22-.Ltmp15, $4  }
0x171: {  	_ =	swait.ge [sflag:s21], $0x1000  }
0x172: {  	[sflag:s21] =	ssyncset.done $0x0  }
0x173: {  	[sflag:s21] =	ssyncadd.s32 $0xFFFFF000  }
0x174: {  	_ = 	snop  }
.Lfunc_end2:
_tile_overlayer_lowered:
.L_overlay_start_2:
0x175: {  	(tag) =	ssettag $0x2  }
0x176: {  	s0 =	rddreg [dreg:$0x0];
	s2 =	stileid.u32  }
0x177: {  	s1 =	rddreg [dreg:$0x1];
	p0 =	sne.s32 s2, $0x0  }
0x178: {  	s3 =	rddreg [dreg:$0x2];
	[bflag:$0x3] =	sbarrier.arrive $0xFFFF;
	s2 =	simm.s32 @!p0 $0x1C03  }
0x179: {  	[timem:s3], [sflag:s2] =	dma.local @!p0 [hbm:s0], s1  }
0x17a: {  	s0 =	simm.s32 @!p0 $0x3  }
0x17b: {  	_ =	swait.ge @!p0 [sflag:s0], s1  }
0x17c: {  	s1 =	ssub.s32 @!p0 $0x0, s1;
	[sflag:s0] =	ssyncset.done @!p0 $0x0  }
0x17d: {  	[sflag:s0] =	ssyncadd.s32 @!p0 s1  }
0x17e: {  	[bflag:$0x3] =	sbarrier.arrive $0xFFFF  }
0x17f: {  	_ =	shalt  }

</sc_bundles>
